<compile_context>
chip_gen: v7x
topology: tpu7x:2x2x1
jax: 0.10.2.dev20260603
libtpu: 0.0.44.dev20260713+nightly
codegen_flags: <defaults>
</compile_context>

<pallas_src>
import math

import jax
import jax.numpy as jnp
from jax.experimental import pallas as pl
from jax.experimental.pallas import tpu as pltpu

_NEG = -1e30
_H = 25
_W = 25
_C = 512
_P = 7
_RT = 8
_LOG_MAX = math.log(1000.0 / 16)


def _range_bounds(s, e):
    L = e - s
    lv = (L >= 2).astype(jnp.int32) + (L >= 4).astype(jnp.int32)
    span = jnp.where(L >= 4, 4, jnp.where(L >= 2, 2, 1))
    base = lv * 25
    ia = base + s
    ib = jnp.maximum(base + e - span, 0)
    return L, ia, ib


def _pyramid_kernel(f_ref, pyr_ref):
    pyr_ref[0:25] = f_ref[...]
    pyr_ref[25:49] = jnp.maximum(f_ref[0:24], f_ref[1:25])
    pyr_ref[49:50] = f_ref[24:25]
    pyr_ref[50:73] = jnp.maximum(pyr_ref[25:48], pyr_ref[27:50])
    pyr_ref[73:75] = pyr_ref[48:50]


def _pool_kernel(idx_ref, pyr_ref, o_ref, rm_ref):
    def per_roi(r, carry):
        for ph in range(_P):
            s = idx_ref[r, ph]
            e = idx_ref[r, _P + ph]
            L, ia, ib = _range_bounds(s, e)
            mx = jnp.maximum(pyr_ref[ia], pyr_ref[ib])
            rm_ref[0:25, ph, :] = jnp.where(L > 0, mx, _NEG)
        rm_ref[25:49] = jnp.maximum(rm_ref[0:24], rm_ref[1:25])
        rm_ref[49:50] = rm_ref[24:25]
        rm_ref[50:73] = jnp.maximum(rm_ref[25:48], rm_ref[27:50])
        for pw in range(_P):
            s = idx_ref[r, 2 * _P + pw]
            e = idx_ref[r, 3 * _P + pw]
            L, ia, ib = _range_bounds(s, e)
            acc = jnp.maximum(rm_ref[ia], rm_ref[ib])
            acc = jnp.where(L > 0, acc, _NEG)
            acc = jnp.where(acc <= _NEG * 0.5, 0.0, acc)
            o_ref[r, pl.ds(pw * _P, _P), :] = acc.astype(jnp.bfloat16)
        return carry

    jax.lax.fori_loop(0, _RT, per_roi, 0)


def _fc1_kernel(x_ref, w_ref, b_ref, o_ref):
    k = pl.program_id(0)

    @pl.when(k == 0)
    def _():
        o_ref[...] = jnp.zeros_like(o_ref)

    o_ref[...] += jnp.dot(x_ref[...], w_ref[...],
                          preferred_element_type=jnp.float32)

    @pl.when(k == pl.num_programs(0) - 1)
    def _():
        o_ref[...] = jnp.maximum(o_ref[...] + b_ref[...], 0.0)


def _head_kernel(h1_ref, w7_ref, b7_ref, wh_ref, bh_ref, pr_ref, img_ref,
                 o_ref):
    h1 = h1_ref[...].astype(jnp.bfloat16)
    h2 = jnp.maximum(
        jnp.dot(h1, w7_ref[...], preferred_element_type=jnp.float32)
        + b7_ref[...], 0.0).astype(jnp.bfloat16)
    y = jnp.dot(h2, wh_ref[...], preferred_element_type=jnp.float32) \
        + bh_ref[...]
    scores = y[:, 0:21]
    bp = y[:, 21:105]

    x1 = pr_ref[:, 0:1]
    y1 = pr_ref[:, 1:2]
    x2 = pr_ref[:, 2:3]
    y2 = pr_ref[:, 3:4]
    w = x2 - x1
    h = y2 - y1
    cx = x1 + 0.5 * w
    cy = y1 + 0.5 * h

    comp = jax.lax.broadcasted_iota(jnp.int32, bp.shape, 1) % 4
    even = (comp % 2) == 0
    s = jnp.where(even, w, h)
    t = jnp.where(even, cx, cy)
    bsh = jnp.concatenate([bp[:, 2:], bp[:, :2]], axis=1)
    csh = jnp.concatenate([bp[:, 82:], bp[:, :82]], axis=1)
    sz1 = jnp.exp(jnp.minimum(bsh, _LOG_MAX)) * s * 0.5
    sz2 = jnp.exp(jnp.minimum(bp, _LOG_MAX)) * s * 0.5
    xy1 = bp * s + t - sz1
    xy2 = csh * s + t + sz2
    res = jnp.where(comp < 2, xy1, xy2)
    wi = img_ref[1].astype(jnp.float32)
    hi = img_ref[0].astype(jnp.float32)
    bound = jnp.where(even, wi, hi)
    res = jnp.clip(res, 0.0, bound)
    o_ref[...] = jnp.concatenate([scores, res], axis=1)


def kernel(feat, proposals, image_shape, W6, b6, W7, b7, Wc, bc, Wb, bb):
    N = proposals.shape[0]
    f = jnp.transpose(feat[0], (1, 2, 0))

    scale = 1.0 / 16
    x1 = jnp.round(proposals[:, 0] * scale)
    y1 = jnp.round(proposals[:, 1] * scale)
    x2 = jnp.round(proposals[:, 2] * scale)
    y2 = jnp.round(proposals[:, 3] * scale)
    roi_w = jnp.maximum(x2 - x1 + 1.0, 1.0)
    roi_h = jnp.maximum(y2 - y1 + 1.0, 1.0)
    bh = roi_h / _P
    bw = roi_w / _P
    pidx = jnp.arange(_P, dtype=jnp.float32)
    hs = jnp.clip(jnp.floor(pidx[None, :] * bh[:, None]) + y1[:, None], 0, _H)
    he = jnp.clip(jnp.ceil((pidx[None, :] + 1.0) * bh[:, None]) + y1[:, None],
                  0, _H)
    ws = jnp.clip(jnp.floor(pidx[None, :] * bw[:, None]) + x1[:, None], 0, _W)
    we = jnp.clip(jnp.ceil((pidx[None, :] + 1.0) * bw[:, None]) + x1[:, None],
                  0, _W)
    idx = jnp.concatenate([hs, he, ws, we], axis=1).astype(jnp.int32)

    pyr = pl.pallas_call(
        _pyramid_kernel,
        out_shape=jax.ShapeDtypeStruct((75, _W, _C), jnp.float32),
    )(f)

    X = pl.pallas_call(
        _pool_kernel,
        grid=(N // _RT,),
        in_specs=[
            pl.BlockSpec((_RT, 4 * _P), lambda i: (i, 0),
                         memory_space=pltpu.SMEM),
            pl.BlockSpec((75, _W, _C), lambda i: (0, 0, 0)),
        ],
        out_specs=pl.BlockSpec((_RT, _P * _P, _C), lambda i: (i, 0, 0)),
        out_shape=jax.ShapeDtypeStruct((N, _P * _P, _C), jnp.bfloat16),
        scratch_shapes=[pltpu.VMEM((75, _P, _C), jnp.float32)],
        compiler_params=pltpu.CompilerParams(
            dimension_semantics=("parallel",)),
    )(idx, pyr)
    X2 = X.reshape(N, _P * _P * _C)

    d_in = _P * _P * _C
    W6p = (W6.reshape(1024, _C, _P, _P).transpose(3, 2, 1, 0)
           .reshape(d_in, 1024).astype(jnp.bfloat16))
    NP = 1024
    KT = 3584
    h1 = pl.pallas_call(
        _fc1_kernel,
        grid=(d_in // KT,),
        in_specs=[
            pl.BlockSpec((NP, KT), lambda k: (0, k)),
            pl.BlockSpec((KT, 1024), lambda k: (k, 0)),
            pl.BlockSpec((1, 1024), lambda k: (0, 0)),
        ],
        out_specs=pl.BlockSpec((NP, 1024), lambda k: (0, 0)),
        out_shape=jax.ShapeDtypeStruct((NP, 1024), jnp.float32),
    )(X2, W6p, b6.reshape(1, 1024))

    Wh = jnp.concatenate([Wc, Wb], axis=0)
    bh2 = jnp.concatenate([bc, bb]).reshape(1, 105)
    RT2 = 128
    out = pl.pallas_call(
        _head_kernel,
        grid=(NP // RT2,),
        in_specs=[
            pl.BlockSpec((RT2, 1024), lambda i: (i, 0)),
            pl.BlockSpec((1024, 1024), lambda i: (0, 0)),
            pl.BlockSpec((1, 1024), lambda i: (0, 0)),
            pl.BlockSpec((1024, 105), lambda i: (0, 0)),
            pl.BlockSpec((1, 105), lambda i: (0, 0)),
            pl.BlockSpec((RT2, 4), lambda i: (i, 0)),
            pl.BlockSpec(memory_space=pltpu.SMEM),
        ],
        out_specs=pl.BlockSpec((RT2, 105), lambda i: (i, 0)),
        out_shape=jax.ShapeDtypeStruct((N, 105), jnp.float32),
    )(h1, W7.T.astype(jnp.bfloat16), b7.reshape(1, 1024),
      Wh.T.astype(jnp.bfloat16), bh2, proposals, image_shape)
    return out

# --- scband reference (transcript-rebuilt; emitter-appended) ---
"""Pipeline reference for scband-roihead-532575944979 (READ-ONLY COPY).

The authoritative reference and input builder live on the scoring server;
editing this copy changes nothing except your own understanding.
"""

import jax, jax.numpy as jnp
import numpy as np
import math

NEG = jnp.float32(-1e30)

def roi_pool(feat, rois, output_size=7, spatial_scale=1.0/16):
    # feat: [1, C, H, W], rois: [N, 4] (x1,y1,x2,y2) in image coords
    f = jnp.transpose(feat[0], (1, 2, 0))  # [H, W, C]
    H, W, C = f.shape
    P = output_size
    x1 = jnp.round(rois[:, 0] * spatial_scale)
    y1 = jnp.round(rois[:, 1] * spatial_scale)
    x2 = jnp.round(rois[:, 2] * spatial_scale)
    y2 = jnp.round(rois[:, 3] * spatial_scale)
    roi_w = jnp.maximum(x2 - x1 + 1.0, 1.0)
    roi_h = jnp.maximum(y2 - y1 + 1.0, 1.0)
    bh = roi_h / P
    bw = roi_w / P
    pidx = jnp.arange(P, dtype=jnp.float32)
    hstart = jnp.clip(jnp.floor(pidx[None, :] * bh[:, None]) + y1[:, None], 0, H)
    hend = jnp.clip(jnp.ceil((pidx[None, :] + 1.0) * bh[:, None]) + y1[:, None], 0, H)
    wstart = jnp.clip(jnp.floor(pidx[None, :] * bw[:, None]) + x1[:, None], 0, W)
    wend = jnp.clip(jnp.ceil((pidx[None, :] + 1.0) * bw[:, None]) + x1[:, None], 0, W)
    hs = hstart.astype(jnp.int32); he = hend.astype(jnp.int32)
    ws = wstart.astype(jnp.int32); we = wend.astype(jnp.int32)
    K = 6  # max bin extent: ceil(26/7)+1 <= 5, use 6 for safety
    N = rois.shape[0]
    # stage 1: max over h within each h-bin -> [N, P, W, C]
    acc = jnp.full((N, P, W, C), NEG, dtype=f.dtype)
    for k in range(K):
        idx = hs + k  # [N, P]
        valid = idx < he
        idxc = jnp.clip(idx, 0, H - 1)
        rows = f[idxc]  # gather -> [N, P, W, C]
        acc = jnp.maximum(acc, jnp.where(valid[:, :, None, None], rows, NEG))
    # stage 2: max over w within each w-bin -> [N, P, P, C]
    out = jnp.full((N, P, P, C), NEG, dtype=f.dtype)
    for k in range(K):
        idx = ws + k  # [N, P]
        valid = idx < we
        idxc = jnp.clip(idx, 0, W - 1)
        cols = jnp.take_along_axis(acc, idxc[:, None, :, None], axis=2)  # [N, Ph, Pw, C]
        out = jnp.maximum(out, jnp.where(valid[:, None, :, None], cols, NEG))
    out = jnp.where(out <= NEG * 0.5, jnp.float32(0.0), out)  # empty bins -> 0 (torchvision semantics)
    return jnp.transpose(out, (0, 3, 1, 2))  # [N, C, P, P]

def apply_transform(box_pred, props):
    bp = box_pred.reshape(box_pred.shape[0], -1, 4)
    w = props[:, 2] - props[:, 0]
    h = props[:, 3] - props[:, 1]
    cx = props[:, 0] + 0.5 * w
    cy = props[:, 1] + 0.5 * h
    dx = bp[..., 0]; dy = bp[..., 1]
    dw = jnp.minimum(bp[..., 2], math.log(1000.0 / 16))
    dh = jnp.minimum(bp[..., 3], math.log(1000.0 / 16))
    pcx = dx * w[:, None] + cx[:, None]
    pcy = dy * h[:, None] + cy[:, None]
    pw = jnp.exp(dw) * w[:, None]
    ph = jnp.exp(dh) * h[:, None]
    return jnp.stack([pcx - pw / 2, pcy - ph / 2, pcx + pw / 2, pcy + ph / 2], axis=2)

def clamp_boxes(boxes, image_shape):
    h = image_shape[-2].astype(boxes.dtype)
    w = image_shape[-1].astype(boxes.dtype)
    x1 = jnp.clip(boxes[..., 0], 0, w)
    y1 = jnp.clip(boxes[..., 1], 0, h)
    x2 = jnp.clip(boxes[..., 2], 0, w)
    y2 = jnp.clip(boxes[..., 3], 0, h)
    return jnp.stack([x1, y1, x2, y2], axis=-1)

def setup_inputs(seed: int = 0):
    key = jax.random.key(seed)
    ks = jax.random.split(key, 12)
    N, C, num_classes, pool = 1000, 512, 21, 7
    feat = jax.random.normal(ks[0], (1, C, 25, 25), dtype=jnp.float32)
    centers = jax.random.uniform(ks[1], (N, 2), minval=0.0, maxval=400.0, dtype=jnp.float32)
    sizes = jax.random.uniform(ks[2], (N, 2), minval=16.0, maxval=200.0, dtype=jnp.float32)
    x1y1 = jnp.clip(centers - sizes / 2, 0.0, 400.0)
    x2y2 = jnp.clip(centers + sizes / 2, 0.0, 400.0)
    proposals = jnp.concatenate([x1y1, x2y2], axis=1)
    image_shape = jnp.array([400, 400], dtype=jnp.int32)
    d_in = C * pool * pool
    W6 = jax.random.normal(ks[3], (1024, d_in), dtype=jnp.float32) * 0.01
    b6 = jnp.zeros((1024,), dtype=jnp.float32)
    W7 = jax.random.normal(ks[4], (1024, 1024), dtype=jnp.float32) * 0.01
    b7 = jnp.zeros((1024,), dtype=jnp.float32)
    Wc = jax.random.normal(ks[5], (num_classes, 1024), dtype=jnp.float32) * 0.01
    bc = jnp.zeros((num_classes,), dtype=jnp.float32)
    Wb = jax.random.normal(ks[6], (num_classes * 4, 1024), dtype=jnp.float32) * 0.001
    bb = jnp.zeros((num_classes * 4,), dtype=jnp.float32)
    return {"feat": feat, "proposals": proposals, "image_shape": image_shape,
            "W6": W6, "b6": b6, "W7": W7, "b7": b7, "Wc": Wc, "bc": bc, "Wb": Wb, "bb": bb}

def reference(feat, proposals, image_shape, W6, b6, W7, b7, Wc, bc, Wb, bb):
    pooled = roi_pool(feat, proposals, 7, 1.0 / 16)
    x = pooled.reshape(pooled.shape[0], -1)
    x = jax.nn.relu(x @ W6.T + b6)
    x = jax.nn.relu(x @ W7.T + b7)
    cls_scores = x @ Wc.T + bc
    box_transform_pred = x @ Wb.T + bb
    pred_boxes = apply_transform(box_transform_pred, proposals)
    pred_boxes = clamp_boxes(pred_boxes, image_shape)
    num_boxes = cls_scores.shape[0]
    return jnp.concatenate([cls_scores, pred_boxes.reshape(num_boxes, -1)], axis=1)

if __name__ == "__main__":
    import jax
    _d = setup_inputs()
    print(jax.jit(kernel)(*tuple(_d.values())))

</pallas_src>

<mosaic_0001>
module attributes {stable_mosaic.version = 14 : i64} {
  func.func @_pyramid_kernel(%arg0: memref<25x25x512xf32, #tpu.memory_space<vmem>>, %arg1: memref<75x25x512xf32, #tpu.memory_space<vmem>>) attributes {dimension_semantics = [], scalar_prefetch = 0 : i64, scratch_operands = 0 : i64, tpu.core_type = #tpu.core_type<tc>} {
    %get3A = arith.constant 0 : index
    %get3A_0 = arith.constant 0 : index
    %get3A_1 = arith.constant 0 : index
    %get3A_2 = vector.load %arg0[%get3A, %get3A_0, %get3A_1] : memref<25x25x512xf32, #tpu.memory_space<vmem>>, vector<25x25x512xf32>
    %swap3A = arith.constant 0 : index
    %swap3A_3 = arith.constant 0 : index
    %swap3A_4 = arith.constant 0 : index
    %swap3A_5 = vector.load %arg1[%swap3A, %swap3A_3, %swap3A_4] : memref<75x25x512xf32, #tpu.memory_space<vmem>>, vector<25x25x512xf32>
    tpu.vector_store %arg1[%swap3A, %swap3A_3, %swap3A_4], %get3A_2 {strides = array<i32>} : memref<75x25x512xf32, #tpu.memory_space<vmem>>, vector<25x25x512xf32>,
    %get3A_6 = arith.constant 0 : index
    %get3A_7 = arith.constant 0 : index
    %get3A_8 = arith.constant 0 : index
    %get3A_9 = vector.load %arg0[%get3A_6, %get3A_7, %get3A_8] : memref<25x25x512xf32, #tpu.memory_space<vmem>>, vector<24x25x512xf32>
    %get3A_10 = arith.constant 1 : index
    %get3A_11 = arith.constant 0 : index
    %get3A_12 = arith.constant 0 : index
    %get3A_13 = vector.load %arg0[%get3A_10, %get3A_11, %get3A_12] : memref<25x25x512xf32, #tpu.memory_space<vmem>>, vector<24x25x512xf32>
    %max3A = arith.maximumf %get3A_9, %get3A_13 : vector<24x25x512xf32>
    %swap3A_14 = arith.constant 25 : index
    %swap3A_15 = arith.constant 0 : index
    %swap3A_16 = arith.constant 0 : index
    %swap3A_17 = vector.load %arg1[%swap3A_14, %swap3A_15, %swap3A_16] : memref<75x25x512xf32, #tpu.memory_space<vmem>>, vector<24x25x512xf32>
    tpu.vector_store %arg1[%swap3A_14, %swap3A_15, %swap3A_16], %max3A {strides = array<i32>} : memref<75x25x512xf32, #tpu.memory_space<vmem>>, vector<24x25x512xf32>,
    %get3A_18 = arith.constant 24 : index
    %get3A_19 = arith.constant 0 : index
    %get3A_20 = arith.constant 0 : index
    %get3A_21 = vector.load %arg0[%get3A_18, %get3A_19, %get3A_20] : memref<25x25x512xf32, #tpu.memory_space<vmem>>, vector<1x25x512xf32>
    %swap3A_22 = arith.constant 49 : index
    %swap3A_23 = arith.constant 0 : index
    %swap3A_24 = arith.constant 0 : index
    %swap3A_25 = vector.load %arg1[%swap3A_22, %swap3A_23, %swap3A_24] : memref<75x25x512xf32, #tpu.memory_space<vmem>>, vector<1x25x512xf32>
    tpu.vector_store %arg1[%swap3A_22, %swap3A_23, %swap3A_24], %get3A_21 {strides = array<i32>} : memref<75x25x512xf32, #tpu.memory_space<vmem>>, vector<1x25x512xf32>,
    %get3A_26 = arith.constant 25 : index
    %get3A_27 = arith.constant 0 : index
    %get3A_28 = arith.constant 0 : index
    %get3A_29 = vector.load %arg1[%get3A_26, %get3A_27, %get3A_28] : memref<75x25x512xf32, #tpu.memory_space<vmem>>, vector<23x25x512xf32>
    %get3A_30 = arith.constant 27 : index
    %get3A_31 = arith.constant 0 : index
    %get3A_32 = arith.constant 0 : index
    %get3A_33 = vector.load %arg1[%get3A_30, %get3A_31, %get3A_32] : memref<75x25x512xf32, #tpu.memory_space<vmem>>, vector<23x25x512xf32>
    %max3A_34 = arith.maximumf %get3A_29, %get3A_33 : vector<23x25x512xf32>
    %swap3A_35 = arith.constant 50 : index
    %swap3A_36 = arith.constant 0 : index
    %swap3A_37 = arith.constant 0 : index
    %swap3A_38 = vector.load %arg1[%swap3A_35, %swap3A_36, %swap3A_37] : memref<75x25x512xf32, #tpu.memory_space<vmem>>, vector<23x25x512xf32>
    tpu.vector_store %arg1[%swap3A_35, %swap3A_36, %swap3A_37], %max3A_34 {strides = array<i32>} : memref<75x25x512xf32, #tpu.memory_space<vmem>>, vector<23x25x512xf32>,
    %get3A_39 = arith.constant 48 : index
    %get3A_40 = arith.constant 0 : index
    %get3A_41 = arith.constant 0 : index
    %get3A_42 = vector.load %arg1[%get3A_39, %get3A_40, %get3A_41] : memref<75x25x512xf32, #tpu.memory_space<vmem>>, vector<2x25x512xf32>
    %swap3A_43 = arith.constant 73 : index
    %swap3A_44 = arith.constant 0 : index
    %swap3A_45 = arith.constant 0 : index
    %swap3A_46 = vector.load %arg1[%swap3A_43, %swap3A_44, %swap3A_45] : memref<75x25x512xf32, #tpu.memory_space<vmem>>, vector<2x25x512xf32>
    tpu.vector_store %arg1[%swap3A_43, %swap3A_44, %swap3A_45], %get3A_42 {strides = array<i32>} : memref<75x25x512xf32, #tpu.memory_space<vmem>>, vector<2x25x512xf32>,
    return
  }
}

module attributes {stable_mosaic.version = 14 : i64} {
  func.func @_pool_kernel(%arg0: i32, %arg1: memref<8x28xi32, #tpu.memory_space<smem>>, %arg2: memref<75x25x512xf32, #tpu.memory_space<vmem>>, %arg3: memref<8x49x512xbf16, #tpu.memory_space<vmem>>, %arg4: memref<75x7x512xf32, #tpu.memory_space<vmem>>) attributes {dimension_semantics = [#tpu.dimension_semantics<parallel>], iteration_bounds = array<i64: 125>, scalar_prefetch = 0 : i64, scratch_operands = 1 : i64, tpu.core_type = #tpu.core_type<tc>, window_params = [{transform_indices = @transform_0, window_bounds = array<i64: 8, 28>}, {pipeline_mode = #tpu.pipeline_mode<synchronous>, transform_indices = @transform_1, window_bounds = array<i64: 75, 25, 512>}, {transform_indices = @transform_2, window_bounds = array<i64: 8, 49, 512>}]} {
    %scan3A = arith.constant 0 : i32
    %scan3A_0 = arith.constant 8 : i32
    %scan3A_1 = arith.addi %scan3A, %scan3A_0 : i32
    %scan3A_2 = arith.constant 1 : i32
    scf.for %scan3A_4 = %scan3A to %scan3A_1 step %scan3A_2  : i32 {
      %get3A = arith.index_cast %scan3A_4 : i32 to index
      %get3A_5 = arith.constant 0 : index
      %get3A_6 = memref.load %arg1[%get3A, %get3A_5] : memref<8x28xi32, #tpu.memory_space<smem>>
      %get3A_7 = arith.index_cast %scan3A_4 : i32 to index
      %get3A_8 = arith.constant 7 : index
      %get3A_9 = memref.load %arg1[%get3A_7, %get3A_8] : memref<8x28xi32, #tpu.memory_space<smem>>
      %sub3A = arith.subi %get3A_9, %get3A_6 : i32
      %ge3A = arith.constant 2 : i32
      %ge3A_10 = arith.cmpi sge, %sub3A, %ge3A : i32
      %convert_element_type3A = arith.extui %ge3A_10 : i1 to i32
      %ge3A_11 = arith.constant 4 : i32
      %ge3A_12 = arith.cmpi sge, %sub3A, %ge3A_11 : i32
      %convert_element_type3A_13 = arith.extui %ge3A_12 : i1 to i32
      %add3A = arith.addi %convert_element_type3A, %convert_element_type3A_13 : i32
      %ge3A_14 = arith.constant 4 : i32
      %ge3A_15 = arith.cmpi sge, %sub3A, %ge3A_14 : i32
      %ge3A_16 = arith.constant 2 : i32
      %ge3A_17 = arith.cmpi sge, %sub3A, %ge3A_16 : i32
      %jit3A = arith.constant 2 : i32
      %jit3A_18 = arith.constant 1 : i32
      %select_n3A = arith.select %ge3A_17, %jit3A, %jit3A_18 : i32
      %jit3A_19 = arith.constant 4 : i32
      %select_n3A_20 = arith.select %ge3A_15, %jit3A_19, %select_n3A : i32
      %mul3A = arith.constant 25 : i32
      %mul3A_21 = arith.muli %add3A, %mul3A : i32
      %add3A_22 = arith.addi %mul3A_21, %get3A_6 : i32
      %add3A_23 = arith.addi %mul3A_21, %get3A_9 : i32
      %sub3A_24 = arith.subi %add3A_23, %select_n3A_20 : i32
      %max3A = arith.constant 0 : i32
      %max3A_25 = arith.maxsi %sub3A_24, %max3A : i32
      %get3A_26 = arith.index_cast %add3A_22 : i32 to index
      %get3A_27 = arith.constant 0 : index
      %get3A_28 = arith.constant 0 : index
      %get3A_29 = vector.load %arg2[%get3A_26, %get3A_27, %get3A_28] : memref<75x25x512xf32, #tpu.memory_space<vmem>>, vector<1x25x512xf32>
      %get3A_30 = vector.shape_cast %get3A_29 : vector<1x25x512xf32> to vector<25x512xf32>
      %get3A_31 = arith.index_cast %max3A_25 : i32 to index
      %get3A_32 = arith.constant 0 : index
      %get3A_33 = arith.constant 0 : index
      %get3A_34 = vector.load %arg2[%get3A_31, %get3A_32, %get3A_33] : memref<75x25x512xf32, #tpu.memory_space<vmem>>, vector<1x25x512xf32>
      %get3A_35 = vector.shape_cast %get3A_34 : vector<1x25x512xf32> to vector<25x512xf32>
      %max3A_36 = arith.maximumf %get3A_30, %get3A_35 : vector<25x512xf32>
      %gt3A = arith.constant 0 : i32
      %gt3A_37 = arith.cmpi sgt, %sub3A, %gt3A : i32
      %jit3A_38 = arith.constant -1.000000e+30 : f32
      %broadcast_in_dim3A = vector.broadcast %jit3A_38 : f32 to vector<25x512xf32>
      %select_n3A_39 = arith.select %gt3A_37, %max3A_36, %broadcast_in_dim3A : vector<25x512xf32>
      %swap3A = arith.constant 0 : index
      %swap3A_40 = arith.constant 0 : index
      %swap3A_41 = arith.constant 0 : index
      %swap3A_42 = vector.load %arg4[%swap3A, %swap3A_40, %swap3A_41] : memref<75x7x512xf32, #tpu.memory_space<vmem>>, vector<25x1x512xf32>
      %swap3A_43 = vector.shape_cast %swap3A_42 : vector<25x1x512xf32> to vector<25x512xf32>
      %swap3A_44 = vector.shape_cast %select_n3A_39 : vector<25x512xf32> to vector<25x1x512xf32>
      tpu.vector_store %arg4[%swap3A, %swap3A_40, %swap3A_41], %swap3A_44 {strides = array<i32>} : memref<75x7x512xf32, #tpu.memory_space<vmem>>, vector<25x1x512xf32>,
      %get3A_45 = arith.index_cast %scan3A_4 : i32 to index
      %get3A_46 = arith.constant 1 : index
      %get3A_47 = memref.load %arg1[%get3A_45, %get3A_46] : memref<8x28xi32, #tpu.memory_space<smem>>
      %get3A_48 = arith.index_cast %scan3A_4 : i32 to index
      %get3A_49 = arith.constant 8 : index
      %get3A_50 = memref.load %arg1[%get3A_48, %get3A_49] : memref<8x28xi32, #tpu.memory_space<smem>>
      %sub3A_51 = arith.subi %get3A_50, %get3A_47 : i32
      %ge3A_52 = arith.constant 2 : i32
      %ge3A_53 = arith.cmpi sge, %sub3A_51, %ge3A_52 : i32
      %convert_element_type3A_54 = arith.extui %ge3A_53 : i1 to i32
      %ge3A_55 = arith.constant 4 : i32
      %ge3A_56 = arith.cmpi sge, %sub3A_51, %ge3A_55 : i32
      %convert_element_type3A_57 = arith.extui %ge3A_56 : i1 to i32
      %add3A_58 = arith.addi %convert_element_type3A_54, %convert_element_type3A_57 : i32
      %ge3A_59 = arith.constant 4 : i32
      %ge3A_60 = arith.cmpi sge, %sub3A_51, %ge3A_59 : i32
      %ge3A_61 = arith.constant 2 : i32
      %ge3A_62 = arith.cmpi sge, %sub3A_51, %ge3A_61 : i32
      %jit3A_63 = arith.constant 2 : i32
      %jit3A_64 = arith.constant 1 : i32
      %select_n3A_65 = arith.select %ge3A_62, %jit3A_63, %jit3A_64 : i32
      %jit3A_66 = arith.constant 4 : i32
      %select_n3A_67 = arith.select %ge3A_60, %jit3A_66, %select_n3A_65 : i32
      %mul3A_68 = arith.constant 25 : i32
      %mul3A_69 = arith.muli %add3A_58, %mul3A_68 : i32
      %add3A_70 = arith.addi %mul3A_69, %get3A_47 : i32
      %add3A_71 = arith.addi %mul3A_69, %get3A_50 : i32
      %sub3A_72 = arith.subi %add3A_71, %select_n3A_67 : i32
      %max3A_73 = arith.constant 0 : i32
      %max3A_74 = arith.maxsi %sub3A_72, %max3A_73 : i32
      %get3A_75 = arith.index_cast %add3A_70 : i32 to index
      %get3A_76 = arith.constant 0 : index
      %get3A_77 = arith.constant 0 : index
      %get3A_78 = vector.load %arg2[%get3A_75, %get3A_76, %get3A_77] : memref<75x25x512xf32, #tpu.memory_space<vmem>>, vector<1x25x512xf32>
      %get3A_79 = vector.shape_cast %get3A_78 : vector<1x25x512xf32> to vector<25x512xf32>
      %get3A_80 = arith.index_cast %max3A_74 : i32 to index
      %get3A_81 = arith.constant 0 : index
      %get3A_82 = arith.constant 0 : index
      %get3A_83 = vector.load %arg2[%get3A_80, %get3A_81, %get3A_82] : memref<75x25x512xf32, #tpu.memory_space<vmem>>, vector<1x25x512xf32>
      %get3A_84 = vector.shape_cast %get3A_83 : vector<1x25x512xf32> to vector<25x512xf32>
      %max3A_85 = arith.maximumf %get3A_79, %get3A_84 : vector<25x512xf32>
      %gt3A_86 = arith.constant 0 : i32
      %gt3A_87 = arith.cmpi sgt, %sub3A_51, %gt3A_86 : i32
      %jit3A_88 = arith.constant -1.000000e+30 : f32
      %broadcast_in_dim3A_89 = vector.broadcast %jit3A_88 : f32 to vector<25x512xf32>
      %select_n3A_90 = arith.select %gt3A_87, %max3A_85, %broadcast_in_dim3A_89 : vector<25x512xf32>
      %swap3A_91 = arith.constant 0 : index
      %swap3A_92 = arith.constant 1 : index
      %swap3A_93 = arith.constant 0 : index
      %swap3A_94 = vector.load %arg4[%swap3A_91, %swap3A_92, %swap3A_93] : memref<75x7x512xf32, #tpu.memory_space<vmem>>, vector<25x1x512xf32>
      %swap3A_95 = vector.shape_cast %swap3A_94 : vector<25x1x512xf32> to vector<25x512xf32>
      %swap3A_96 = vector.shape_cast %select_n3A_90 : vector<25x512xf32> to vector<25x1x512xf32>
      tpu.vector_store %arg4[%swap3A_91, %swap3A_92, %swap3A_93], %swap3A_96 {strides = array<i32>} : memref<75x7x512xf32, #tpu.memory_space<vmem>>, vector<25x1x512xf32>,
      %get3A_97 = arith.index_cast %scan3A_4 : i32 to index
      %get3A_98 = arith.constant 2 : index
      %get3A_99 = memref.load %arg1[%get3A_97, %get3A_98] : memref<8x28xi32, #tpu.memory_space<smem>>
      %get3A_100 = arith.index_cast %scan3A_4 : i32 to index
      %get3A_101 = arith.constant 9 : index
      %get3A_102 = memref.load %arg1[%get3A_100, %get3A_101] : memref<8x28xi32, #tpu.memory_space<smem>>
      %sub3A_103 = arith.subi %get3A_102, %get3A_99 : i32
      %ge3A_104 = arith.constant 2 : i32
      %ge3A_105 = arith.cmpi sge, %sub3A_103, %ge3A_104 : i32
      %convert_element_type3A_106 = arith.extui %ge3A_105 : i1 to i32
      %ge3A_107 = arith.constant 4 : i32
      %ge3A_108 = arith.cmpi sge, %sub3A_103, %ge3A_107 : i32
      %convert_element_type3A_109 = arith.extui %ge3A_108 : i1 to i32
      %add3A_110 = arith.addi %convert_element_type3A_106, %convert_element_type3A_109 : i32
      %ge3A_111 = arith.constant 4 : i32
      %ge3A_112 = arith.cmpi sge, %sub3A_103, %ge3A_111 : i32
      %ge3A_113 = arith.constant 2 : i32
      %ge3A_114 = arith.cmpi sge, %sub3A_103, %ge3A_113 : i32
      %jit3A_115 = arith.constant 2 : i32
      %jit3A_116 = arith.constant 1 : i32
      %select_n3A_117 = arith.select %ge3A_114, %jit3A_115, %jit3A_116 : i32
      %jit3A_118 = arith.constant 4 : i32
      %select_n3A_119 = arith.select %ge3A_112, %jit3A_118, %select_n3A_117 : i32
      %mul3A_120 = arith.constant 25 : i32
      %mul3A_121 = arith.muli %add3A_110, %mul3A_120 : i32
      %add3A_122 = arith.addi %mul3A_121, %get3A_99 : i32
      %add3A_123 = arith.addi %mul3A_121, %get3A_102 : i32
      %sub3A_124 = arith.subi %add3A_123, %select_n3A_119 : i32
      %max3A_125 = arith.constant 0 : i32
      %max3A_126 = arith.maxsi %sub3A_124, %max3A_125 : i32
      %get3A_127 = arith.index_cast %add3A_122 : i32 to index
      %get3A_128 = arith.constant 0 : index
      %get3A_129 = arith.constant 0 : index
      %get3A_130 = vector.load %arg2[%get3A_127, %get3A_128, %get3A_129] : memref<75x25x512xf32, #tpu.memory_space<vmem>>, vector<1x25x512xf32>
      %get3A_131 = vector.shape_cast %get3A_130 : vector<1x25x512xf32> to vector<25x512xf32>
      %get3A_132 = arith.index_cast %max3A_126 : i32 to index
      %get3A_133 = arith.constant 0 : index
      %get3A_134 = arith.constant 0 : index
      %get3A_135 = vector.load %arg2[%get3A_132, %get3A_133, %get3A_134] : memref<75x25x512xf32, #tpu.memory_space<vmem>>, vector<1x25x512xf32>
      %get3A_136 = vector.shape_cast %get3A_135 : vector<1x25x512xf32> to vector<25x512xf32>
      %max3A_137 = arith.maximumf %get3A_131, %get3A_136 : vector<25x512xf32>
      %gt3A_138 = arith.constant 0 : i32
      %gt3A_139 = arith.cmpi sgt, %sub3A_103, %gt3A_138 : i32
      %jit3A_140 = arith.constant -1.000000e+30 : f32
      %broadcast_in_dim3A_141 = vector.broadcast %jit3A_140 : f32 to vector<25x512xf32>
      %select_n3A_142 = arith.select %gt3A_139, %max3A_137, %broadcast_in_dim3A_141 : vector<25x512xf32>
      %swap3A_143 = arith.constant 0 : index
      %swap3A_144 = arith.constant 2 : index
      %swap3A_145 = arith.constant 0 : index
      %swap3A_146 = vector.load %arg4[%swap3A_143, %swap3A_144, %swap3A_145] : memref<75x7x512xf32, #tpu.memory_space<vmem>>, vector<25x1x512xf32>
      %swap3A_147 = vector.shape_cast %swap3A_146 : vector<25x1x512xf32> to vector<25x512xf32>
      %swap3A_148 = vector.shape_cast %select_n3A_142 : vector<25x512xf32> to vector<25x1x512xf32>
      tpu.vector_store %arg4[%swap3A_143, %swap3A_144, %swap3A_145], %swap3A_148 {strides = array<i32>} : memref<75x7x512xf32, #tpu.memory_space<vmem>>, vector<25x1x512xf32>,
      %get3A_149 = arith.index_cast %scan3A_4 : i32 to index
      %get3A_150 = arith.constant 3 : index
      %get3A_151 = memref.load %arg1[%get3A_149, %get3A_150] : memref<8x28xi32, #tpu.memory_space<smem>>
      %get3A_152 = arith.index_cast %scan3A_4 : i32 to index
      %get3A_153 = arith.constant 10 : index
      %get3A_154 = memref.load %arg1[%get3A_152, %get3A_153] : memref<8x28xi32, #tpu.memory_space<smem>>
      %sub3A_155 = arith.subi %get3A_154, %get3A_151 : i32
      %ge3A_156 = arith.constant 2 : i32
      %ge3A_157 = arith.cmpi sge, %sub3A_155, %ge3A_156 : i32
      %convert_element_type3A_158 = arith.extui %ge3A_157 : i1 to i32
      %ge3A_159 = arith.constant 4 : i32
      %ge3A_160 = arith.cmpi sge, %sub3A_155, %ge3A_159 : i32
      %convert_element_type3A_161 = arith.extui %ge3A_160 : i1 to i32
      %add3A_162 = arith.addi %convert_element_type3A_158, %convert_element_type3A_161 : i32
      %ge3A_163 = arith.constant 4 : i32
      %ge3A_164 = arith.cmpi sge, %sub3A_155, %ge3A_163 : i32
      %ge3A_165 = arith.constant 2 : i32
      %ge3A_166 = arith.cmpi sge, %sub3A_155, %ge3A_165 : i32
      %jit3A_167 = arith.constant 2 : i32
      %jit3A_168 = arith.constant 1 : i32
      %select_n3A_169 = arith.select %ge3A_166, %jit3A_167, %jit3A_168 : i32
      %jit3A_170 = arith.constant 4 : i32
      %select_n3A_171 = arith.select %ge3A_164, %jit3A_170, %select_n3A_169 : i32
      %mul3A_172 = arith.constant 25 : i32
      %mul3A_173 = arith.muli %add3A_162, %mul3A_172 : i32
      %add3A_174 = arith.addi %mul3A_173, %get3A_151 : i32
      %add3A_175 = arith.addi %mul3A_173, %get3A_154 : i32
      %sub3A_176 = arith.subi %add3A_175, %select_n3A_171 : i32
      %max3A_177 = arith.constant 0 : i32
      %max3A_178 = arith.maxsi %sub3A_176, %max3A_177 : i32
      %get3A_179 = arith.index_cast %add3A_174 : i32 to index
      %get3A_180 = arith.constant 0 : index
      %get3A_181 = arith.constant 0 : index
      %get3A_182 = vector.load %arg2[%get3A_179, %get3A_180, %get3A_181] : memref<75x25x512xf32, #tpu.memory_space<vmem>>, vector<1x25x512xf32>
      %get3A_183 = vector.shape_cast %get3A_182 : vector<1x25x512xf32> to vector<25x512xf32>
      %get3A_184 = arith.index_cast %max3A_178 : i32 to index
      %get3A_185 = arith.constant 0 : index
      %get3A_186 = arith.constant 0 : index
      %get3A_187 = vector.load %arg2[%get3A_184, %get3A_185, %get3A_186] : memref<75x25x512xf32, #tpu.memory_space<vmem>>, vector<1x25x512xf32>
      %get3A_188 = vector.shape_cast %get3A_187 : vector<1x25x512xf32> to vector<25x512xf32>
      %max3A_189 = arith.maximumf %get3A_183, %get3A_188 : vector<25x512xf32>
      %gt3A_190 = arith.constant 0 : i32
      %gt3A_191 = arith.cmpi sgt, %sub3A_155, %gt3A_190 : i32
      %jit3A_192 = arith.constant -1.000000e+30 : f32
      %broadcast_in_dim3A_193 = vector.broadcast %jit3A_192 : f32 to vector<25x512xf32>
      %select_n3A_194 = arith.select %gt3A_191, %max3A_189, %broadcast_in_dim3A_193 : vector<25x512xf32>
      %swap3A_195 = arith.constant 0 : index
      %swap3A_196 = arith.constant 3 : index
      %swap3A_197 = arith.constant 0 : index
      %swap3A_198 = vector.load %arg4[%swap3A_195, %swap3A_196, %swap3A_197] : memref<75x7x512xf32, #tpu.memory_space<vmem>>, vector<25x1x512xf32>
      %swap3A_199 = vector.shape_cast %swap3A_198 : vector<25x1x512xf32> to vector<25x512xf32>
      %swap3A_200 = vector.shape_cast %select_n3A_194 : vector<25x512xf32> to vector<25x1x512xf32>
      tpu.vector_store %arg4[%swap3A_195, %swap3A_196, %swap3A_197], %swap3A_200 {strides = array<i32>} : memref<75x7x512xf32, #tpu.memory_space<vmem>>, vector<25x1x512xf32>,
      %get3A_201 = arith.index_cast %scan3A_4 : i32 to index
      %get3A_202 = arith.constant 4 : index
      %get3A_203 = memref.load %arg1[%get3A_201, %get3A_202] : memref<8x28xi32, #tpu.memory_space<smem>>
      %get3A_204 = arith.index_cast %scan3A_4 : i32 to index
      %get3A_205 = arith.constant 11 : index
      %get3A_206 = memref.load %arg1[%get3A_204, %get3A_205] : memref<8x28xi32, #tpu.memory_space<smem>>
      %sub3A_207 = arith.subi %get3A_206, %get3A_203 : i32
      %ge3A_208 = arith.constant 2 : i32
      %ge3A_209 = arith.cmpi sge, %sub3A_207, %ge3A_208 : i32
      %convert_element_type3A_210 = arith.extui %ge3A_209 : i1 to i32
      %ge3A_211 = arith.constant 4 : i32
      %ge3A_212 = arith.cmpi sge, %sub3A_207, %ge3A_211 : i32
      %convert_element_type3A_213 = arith.extui %ge3A_212 : i1 to i32
      %add3A_214 = arith.addi %convert_element_type3A_210, %convert_element_type3A_213 : i32
      %ge3A_215 = arith.constant 4 : i32
      %ge3A_216 = arith.cmpi sge, %sub3A_207, %ge3A_215 : i32
      %ge3A_217 = arith.constant 2 : i32
      %ge3A_218 = arith.cmpi sge, %sub3A_207, %ge3A_217 : i32
      %jit3A_219 = arith.constant 2 : i32
      %jit3A_220 = arith.constant 1 : i32
      %select_n3A_221 = arith.select %ge3A_218, %jit3A_219, %jit3A_220 : i32
      %jit3A_222 = arith.constant 4 : i32
      %select_n3A_223 = arith.select %ge3A_216, %jit3A_222, %select_n3A_221 : i32
      %mul3A_224 = arith.constant 25 : i32
      %mul3A_225 = arith.muli %add3A_214, %mul3A_224 : i32
      %add3A_226 = arith.addi %mul3A_225, %get3A_203 : i32
      %add3A_227 = arith.addi %mul3A_225, %get3A_206 : i32
      %sub3A_228 = arith.subi %add3A_227, %select_n3A_223 : i32
      %max3A_229 = arith.constant 0 : i32
      %max3A_230 = arith.maxsi %sub3A_228, %max3A_229 : i32
      %get3A_231 = arith.index_cast %add3A_226 : i32 to index
      %get3A_232 = arith.constant 0 : index
      %get3A_233 = arith.constant 0 : index
      %get3A_234 = vector.load %arg2[%get3A_231, %get3A_232, %get3A_233] : memref<75x25x512xf32, #tpu.memory_space<vmem>>, vector<1x25x512xf32>
      %get3A_235 = vector.shape_cast %get3A_234 : vector<1x25x512xf32> to vector<25x512xf32>
      %get3A_236 = arith.index_cast %max3A_230 : i32 to index
      %get3A_237 = arith.constant 0 : index
      %get3A_238 = arith.constant 0 : index
      %get3A_239 = vector.load %arg2[%get3A_236, %get3A_237, %get3A_238] : memref<75x25x512xf32, #tpu.memory_space<vmem>>, vector<1x25x512xf32>
      %get3A_240 = vector.shape_cast %get3A_239 : vector<1x25x512xf32> to vector<25x512xf32>
      %max3A_241 = arith.maximumf %get3A_235, %get3A_240 : vector<25x512xf32>
      %gt3A_242 = arith.constant 0 : i32
      %gt3A_243 = arith.cmpi sgt, %sub3A_207, %gt3A_242 : i32
      %jit3A_244 = arith.constant -1.000000e+30 : f32
      %broadcast_in_dim3A_245 = vector.broadcast %jit3A_244 : f32 to vector<25x512xf32>
      %select_n3A_246 = arith.select %gt3A_243, %max3A_241, %broadcast_in_dim3A_245 : vector<25x512xf32>
      %swap3A_247 = arith.constant 0 : index
      %swap3A_248 = arith.constant 4 : index
      %swap3A_249 = arith.constant 0 : index
      %swap3A_250 = vector.load %arg4[%swap3A_247, %swap3A_248, %swap3A_249] : memref<75x7x512xf32, #tpu.memory_space<vmem>>, vector<25x1x512xf32>
      %swap3A_251 = vector.shape_cast %swap3A_250 : vector<25x1x512xf32> to vector<25x512xf32>
      %swap3A_252 = vector.shape_cast %select_n3A_246 : vector<25x512xf32> to vector<25x1x512xf32>
      tpu.vector_store %arg4[%swap3A_247, %swap3A_248, %swap3A_249], %swap3A_252 {strides = array<i32>} : memref<75x7x512xf32, #tpu.memory_space<vmem>>, vector<25x1x512xf32>,
      %get3A_253 = arith.index_cast %scan3A_4 : i32 to index
      %get3A_254 = arith.constant 5 : index
      %get3A_255 = memref.load %arg1[%get3A_253, %get3A_254] : memref<8x28xi32, #tpu.memory_space<smem>>
      %get3A_256 = arith.index_cast %scan3A_4 : i32 to index
      %get3A_257 = arith.constant 12 : index
      %get3A_258 = memref.load %arg1[%get3A_256, %get3A_257] : memref<8x28xi32, #tpu.memory_space<smem>>
      %sub3A_259 = arith.subi %get3A_258, %get3A_255 : i32
      %ge3A_260 = arith.constant 2 : i32
      %ge3A_261 = arith.cmpi sge, %sub3A_259, %ge3A_260 : i32
      %convert_element_type3A_262 = arith.extui %ge3A_261 : i1 to i32
      %ge3A_263 = arith.constant 4 : i32
      %ge3A_264 = arith.cmpi sge, %sub3A_259, %ge3A_263 : i32
      %convert_element_type3A_265 = arith.extui %ge3A_264 : i1 to i32
      %add3A_266 = arith.addi %convert_element_type3A_262, %convert_element_type3A_265 : i32
      %ge3A_267 = arith.constant 4 : i32
      %ge3A_268 = arith.cmpi sge, %sub3A_259, %ge3A_267 : i32
      %ge3A_269 = arith.constant 2 : i32
      %ge3A_270 = arith.cmpi sge, %sub3A_259, %ge3A_269 : i32
      %jit3A_271 = arith.constant 2 : i32
      %jit3A_272 = arith.constant 1 : i32
      %select_n3A_273 = arith.select %ge3A_270, %jit3A_271, %jit3A_272 : i32
      %jit3A_274 = arith.constant 4 : i32
      %select_n3A_275 = arith.select %ge3A_268, %jit3A_274, %select_n3A_273 : i32
      %mul3A_276 = arith.constant 25 : i32
      %mul3A_277 = arith.muli %add3A_266, %mul3A_276 : i32
      %add3A_278 = arith.addi %mul3A_277, %get3A_255 : i32
      %add3A_279 = arith.addi %mul3A_277, %get3A_258 : i32
      %sub3A_280 = arith.subi %add3A_279, %select_n3A_275 : i32
      %max3A_281 = arith.constant 0 : i32
      %max3A_282 = arith.maxsi %sub3A_280, %max3A_281 : i32
      %get3A_283 = arith.index_cast %add3A_278 : i32 to index
      %get3A_284 = arith.constant 0 : index
      %get3A_285 = arith.constant 0 : index
      %get3A_286 = vector.load %arg2[%get3A_283, %get3A_284, %get3A_285] : memref<75x25x512xf32, #tpu.memory_space<vmem>>, vector<1x25x512xf32>
      %get3A_287 = vector.shape_cast %get3A_286 : vector<1x25x512xf32> to vector<25x512xf32>
      %get3A_288 = arith.index_cast %max3A_282 : i32 to index
      %get3A_289 = arith.constant 0 : index
      %get3A_290 = arith.constant 0 : index
      %get3A_291 = vector.load %arg2[%get3A_288, %get3A_289, %get3A_290] : memref<75x25x512xf32, #tpu.memory_space<vmem>>, vector<1x25x512xf32>
      %get3A_292 = vector.shape_cast %get3A_291 : vector<1x25x512xf32> to vector<25x512xf32>
      %max3A_293 = arith.maximumf %get3A_287, %get3A_292 : vector<25x512xf32>
      %gt3A_294 = arith.constant 0 : i32
      %gt3A_295 = arith.cmpi sgt, %sub3A_259, %gt3A_294 : i32
      %jit3A_296 = arith.constant -1.000000e+30 : f32
      %broadcast_in_dim3A_297 = vector.broadcast %jit3A_296 : f32 to vector<25x512xf32>
      %select_n3A_298 = arith.select %gt3A_295, %max3A_293, %broadcast_in_dim3A_297 : vector<25x512xf32>
      %swap3A_299 = arith.constant 0 : index
      %swap3A_300 = arith.constant 5 : index
      %swap3A_301 = arith.constant 0 : index
      %swap3A_302 = vector.load %arg4[%swap3A_299, %swap3A_300, %swap3A_301] : memref<75x7x512xf32, #tpu.memory_space<vmem>>, vector<25x1x512xf32>
      %swap3A_303 = vector.shape_cast %swap3A_302 : vector<25x1x512xf32> to vector<25x512xf32>
      %swap3A_304 = vector.shape_cast %select_n3A_298 : vector<25x512xf32> to vector<25x1x512xf32>
      tpu.vector_store %arg4[%swap3A_299, %swap3A_300, %swap3A_301], %swap3A_304 {strides = array<i32>} : memref<75x7x512xf32, #tpu.memory_space<vmem>>, vector<25x1x512xf32>,
      %get3A_305 = arith.index_cast %scan3A_4 : i32 to index
      %get3A_306 = arith.constant 6 : index
      %get3A_307 = memref.load %arg1[%get3A_305, %get3A_306] : memref<8x28xi32, #tpu.memory_space<smem>>
      %get3A_308 = arith.index_cast %scan3A_4 : i32 to index
      %get3A_309 = arith.constant 13 : index
      %get3A_310 = memref.load %arg1[%get3A_308, %get3A_309] : memref<8x28xi32, #tpu.memory_space<smem>>
      %sub3A_311 = arith.subi %get3A_310, %get3A_307 : i32
      %ge3A_312 = arith.constant 2 : i32
      %ge3A_313 = arith.cmpi sge, %sub3A_311, %ge3A_312 : i32
      %convert_element_type3A_314 = arith.extui %ge3A_313 : i1 to i32
      %ge3A_315 = arith.constant 4 : i32
      %ge3A_316 = arith.cmpi sge, %sub3A_311, %ge3A_315 : i32
      %convert_element_type3A_317 = arith.extui %ge3A_316 : i1 to i32
      %add3A_318 = arith.addi %convert_element_type3A_314, %convert_element_type3A_317 : i32
      %ge3A_319 = arith.constant 4 : i32
      %ge3A_320 = arith.cmpi sge, %sub3A_311, %ge3A_319 : i32
      %ge3A_321 = arith.constant 2 : i32
      %ge3A_322 = arith.cmpi sge, %sub3A_311, %ge3A_321 : i32
      %jit3A_323 = arith.constant 2 : i32
      %jit3A_324 = arith.constant 1 : i32
      %select_n3A_325 = arith.select %ge3A_322, %jit3A_323, %jit3A_324 : i32
      %jit3A_326 = arith.constant 4 : i32
      %select_n3A_327 = arith.select %ge3A_320, %jit3A_326, %select_n3A_325 : i32
      %mul3A_328 = arith.constant 25 : i32
      %mul3A_329 = arith.muli %add3A_318, %mul3A_328 : i32
      %add3A_330 = arith.addi %mul3A_329, %get3A_307 : i32
      %add3A_331 = arith.addi %mul3A_329, %get3A_310 : i32
      %sub3A_332 = arith.subi %add3A_331, %select_n3A_327 : i32
      %max3A_333 = arith.constant 0 : i32
      %max3A_334 = arith.maxsi %sub3A_332, %max3A_333 : i32
      %get3A_335 = arith.index_cast %add3A_330 : i32 to index
      %get3A_336 = arith.constant 0 : index
      %get3A_337 = arith.constant 0 : index
      %get3A_338 = vector.load %arg2[%get3A_335, %get3A_336, %get3A_337] : memref<75x25x512xf32, #tpu.memory_space<vmem>>, vector<1x25x512xf32>
      %get3A_339 = vector.shape_cast %get3A_338 : vector<1x25x512xf32> to vector<25x512xf32>
      %get3A_340 = arith.index_cast %max3A_334 : i32 to index
      %get3A_341 = arith.constant 0 : index
      %get3A_342 = arith.constant 0 : index
      %get3A_343 = vector.load %arg2[%get3A_340, %get3A_341, %get3A_342] : memref<75x25x512xf32, #tpu.memory_space<vmem>>, vector<1x25x512xf32>
      %get3A_344 = vector.shape_cast %get3A_343 : vector<1x25x512xf32> to vector<25x512xf32>
      %max3A_345 = arith.maximumf %get3A_339, %get3A_344 : vector<25x512xf32>
      %gt3A_346 = arith.constant 0 : i32
      %gt3A_347 = arith.cmpi sgt, %sub3A_311, %gt3A_346 : i32
      %jit3A_348 = arith.constant -1.000000e+30 : f32
      %broadcast_in_dim3A_349 = vector.broadcast %jit3A_348 : f32 to vector<25x512xf32>
      %select_n3A_350 = arith.select %gt3A_347, %max3A_345, %broadcast_in_dim3A_349 : vector<25x512xf32>
      %swap3A_351 = arith.constant 0 : index
      %swap3A_352 = arith.constant 6 : index
      %swap3A_353 = arith.constant 0 : index
      %swap3A_354 = vector.load %arg4[%swap3A_351, %swap3A_352, %swap3A_353] : memref<75x7x512xf32, #tpu.memory_space<vmem>>, vector<25x1x512xf32>
      %swap3A_355 = vector.shape_cast %swap3A_354 : vector<25x1x512xf32> to vector<25x512xf32>
      %swap3A_356 = vector.shape_cast %select_n3A_350 : vector<25x512xf32> to vector<25x1x512xf32>
      tpu.vector_store %arg4[%swap3A_351, %swap3A_352, %swap3A_353], %swap3A_356 {strides = array<i32>} : memref<75x7x512xf32, #tpu.memory_space<vmem>>, vector<25x1x512xf32>,
      %get3A_357 = arith.constant 0 : index
      %get3A_358 = arith.constant 0 : index
      %get3A_359 = arith.constant 0 : index
      %get3A_360 = vector.load %arg4[%get3A_357, %get3A_358, %get3A_359] : memref<75x7x512xf32, #tpu.memory_space<vmem>>, vector<24x7x512xf32>
      %get3A_361 = arith.constant 1 : index
      %get3A_362 = arith.constant 0 : index
      %get3A_363 = arith.constant 0 : index
      %get3A_364 = vector.load %arg4[%get3A_361, %get3A_362, %get3A_363] : memref<75x7x512xf32, #tpu.memory_space<vmem>>, vector<24x7x512xf32>
      %max3A_365 = arith.maximumf %get3A_360, %get3A_364 : vector<24x7x512xf32>
      %swap3A_366 = arith.constant 25 : index
      %swap3A_367 = arith.constant 0 : index
      %swap3A_368 = arith.constant 0 : index
      %swap3A_369 = vector.load %arg4[%swap3A_366, %swap3A_367, %swap3A_368] : memref<75x7x512xf32, #tpu.memory_space<vmem>>, vector<24x7x512xf32>
      tpu.vector_store %arg4[%swap3A_366, %swap3A_367, %swap3A_368], %max3A_365 {strides = array<i32>} : memref<75x7x512xf32, #tpu.memory_space<vmem>>, vector<24x7x512xf32>,
      %get3A_370 = arith.constant 24 : index
      %get3A_371 = arith.constant 0 : index
      %get3A_372 = arith.constant 0 : index
      %get3A_373 = vector.load %arg4[%get3A_370, %get3A_371, %get3A_372] : memref<75x7x512xf32, #tpu.memory_space<vmem>>, vector<1x7x512xf32>
      %swap3A_374 = arith.constant 49 : index
      %swap3A_375 = arith.constant 0 : index
      %swap3A_376 = arith.constant 0 : index
      %swap3A_377 = vector.load %arg4[%swap3A_374, %swap3A_375, %swap3A_376] : memref<75x7x512xf32, #tpu.memory_space<vmem>>, vector<1x7x512xf32>
      tpu.vector_store %arg4[%swap3A_374, %swap3A_375, %swap3A_376], %get3A_373 {strides = array<i32>} : memref<75x7x512xf32, #tpu.memory_space<vmem>>, vector<1x7x512xf32>,
      %get3A_378 = arith.constant 25 : index
      %get3A_379 = arith.constant 0 : index
      %get3A_380 = arith.constant 0 : index
      %get3A_381 = vector.load %arg4[%get3A_378, %get3A_379, %get3A_380] : memref<75x7x512xf32, #tpu.memory_space<vmem>>, vector<23x7x512xf32>
      %get3A_382 = arith.constant 27 : index
      %get3A_383 = arith.constant 0 : index
      %get3A_384 = arith.constant 0 : index
      %get3A_385 = vector.load %arg4[%get3A_382, %get3A_383, %get3A_384] : memref<75x7x512xf32, #tpu.memory_space<vmem>>, vector<23x7x512xf32>
      %max3A_386 = arith.maximumf %get3A_381, %get3A_385 : vector<23x7x512xf32>
      %swap3A_387 = arith.constant 50 : index
      %swap3A_388 = arith.constant 0 : index
      %swap3A_389 = arith.constant 0 : index
      %swap3A_390 = vector.load %arg4[%swap3A_387, %swap3A_388, %swap3A_389] : memref<75x7x512xf32, #tpu.memory_space<vmem>>, vector<23x7x512xf32>
      tpu.vector_store %arg4[%swap3A_387, %swap3A_388, %swap3A_389], %max3A_386 {strides = array<i32>} : memref<75x7x512xf32, #tpu.memory_space<vmem>>, vector<23x7x512xf32>,
      %get3A_391 = arith.index_cast %scan3A_4 : i32 to index
      %get3A_392 = arith.constant 14 : index
      %get3A_393 = memref.load %arg1[%get3A_391, %get3A_392] : memref<8x28xi32, #tpu.memory_space<smem>>
      %get3A_394 = arith.index_cast %scan3A_4 : i32 to index
      %get3A_395 = arith.constant 21 : index
      %get3A_396 = memref.load %arg1[%get3A_394, %get3A_395] : memref<8x28xi32, #tpu.memory_space<smem>>
      %sub3A_397 = arith.subi %get3A_396, %get3A_393 : i32
      %ge3A_398 = arith.constant 2 : i32
      %ge3A_399 = arith.cmpi sge, %sub3A_397, %ge3A_398 : i32
      %convert_element_type3A_400 = arith.extui %ge3A_399 : i1 to i32
      %ge3A_401 = arith.constant 4 : i32
      %ge3A_402 = arith.cmpi sge, %sub3A_397, %ge3A_401 : i32
      %convert_element_type3A_403 = arith.extui %ge3A_402 : i1 to i32
      %add3A_404 = arith.addi %convert_element_type3A_400, %convert_element_type3A_403 : i32
      %ge3A_405 = arith.constant 4 : i32
      %ge3A_406 = arith.cmpi sge, %sub3A_397, %ge3A_405 : i32
      %ge3A_407 = arith.constant 2 : i32
      %ge3A_408 = arith.cmpi sge, %sub3A_397, %ge3A_407 : i32
      %jit3A_409 = arith.constant 2 : i32
      %jit3A_410 = arith.constant 1 : i32
      %select_n3A_411 = arith.select %ge3A_408, %jit3A_409, %jit3A_410 : i32
      %jit3A_412 = arith.constant 4 : i32
      %select_n3A_413 = arith.select %ge3A_406, %jit3A_412, %select_n3A_411 : i32
      %mul3A_414 = arith.constant 25 : i32
      %mul3A_415 = arith.muli %add3A_404, %mul3A_414 : i32
      %add3A_416 = arith.addi %mul3A_415, %get3A_393 : i32
      %add3A_417 = arith.addi %mul3A_415, %get3A_396 : i32
      %sub3A_418 = arith.subi %add3A_417, %select_n3A_413 : i32
      %max3A_419 = arith.constant 0 : i32
      %max3A_420 = arith.maxsi %sub3A_418, %max3A_419 : i32
      %get3A_421 = arith.index_cast %add3A_416 : i32 to index
      %get3A_422 = arith.constant 0 : index
      %get3A_423 = arith.constant 0 : index
      %get3A_424 = vector.load %arg4[%get3A_421, %get3A_422, %get3A_423] : memref<75x7x512xf32, #tpu.memory_space<vmem>>, vector<1x7x512xf32>
      %get3A_425 = vector.shape_cast %get3A_424 : vector<1x7x512xf32> to vector<7x512xf32>
      %get3A_426 = arith.index_cast %max3A_420 : i32 to index
      %get3A_427 = arith.constant 0 : index
      %get3A_428 = arith.constant 0 : index
      %get3A_429 = vector.load %arg4[%get3A_426, %get3A_427, %get3A_428] : memref<75x7x512xf32, #tpu.memory_space<vmem>>, vector<1x7x512xf32>
      %get3A_430 = vector.shape_cast %get3A_429 : vector<1x7x512xf32> to vector<7x512xf32>
      %max3A_431 = arith.maximumf %get3A_425, %get3A_430 : vector<7x512xf32>
      %gt3A_432 = arith.constant 0 : i32
      %gt3A_433 = arith.cmpi sgt, %sub3A_397, %gt3A_432 : i32
      %jit3A_434 = arith.constant -1.000000e+30 : f32
      %broadcast_in_dim3A_435 = vector.broadcast %jit3A_434 : f32 to vector<7x512xf32>
      %select_n3A_436 = arith.select %gt3A_433, %max3A_431, %broadcast_in_dim3A_435 : vector<7x512xf32>
      %le3A = arith.constant -5.000000e+29 : f32
      %le3A_437 = vector.broadcast %le3A : f32 to vector<7x512xf32>
      %le3A_438 = arith.cmpf ole, %select_n3A_436, %le3A_437 : vector<7x512xf32>
      %jit3A_439 = arith.constant 0.000000e+00 : f32
      %broadcast_in_dim3A_440 = vector.broadcast %jit3A_439 : f32 to vector<7x512xf32>
      %select_n3A_441 = arith.select %le3A_438, %broadcast_in_dim3A_440, %select_n3A_436 : vector<7x512xi1>, vector<7x512xf32>
      %convert_element_type3A_442 = arith.truncf %select_n3A_441 : vector<7x512xf32> to vector<7x512xbf16>
      %swap3A_443 = arith.index_cast %scan3A_4 : i32 to index
      %swap3A_444 = arith.constant 0 : index
      %swap3A_445 = arith.constant 0 : index
      %swap3A_446 = vector.load %arg3[%swap3A_443, %swap3A_444, %swap3A_445] : memref<8x49x512xbf16, #tpu.memory_space<vmem>>, vector<1x7x512xbf16>
      %swap3A_447 = vector.shape_cast %swap3A_446 : vector<1x7x512xbf16> to vector<7x512xbf16>
      %swap3A_448 = vector.shape_cast %convert_element_type3A_442 : vector<7x512xbf16> to vector<1x7x512xbf16>
      tpu.vector_store %arg3[%swap3A_443, %swap3A_444, %swap3A_445], %swap3A_448 {strides = array<i32>} : memref<8x49x512xbf16, #tpu.memory_space<vmem>>, vector<1x7x512xbf16>,
      %get3A_449 = arith.index_cast %scan3A_4 : i32 to index
      %get3A_450 = arith.constant 15 : index
      %get3A_451 = memref.load %arg1[%get3A_449, %get3A_450] : memref<8x28xi32, #tpu.memory_space<smem>>
      %get3A_452 = arith.index_cast %scan3A_4 : i32 to index
      %get3A_453 = arith.constant 22 : index
      %get3A_454 = memref.load %arg1[%get3A_452, %get3A_453] : memref<8x28xi32, #tpu.memory_space<smem>>
      %sub3A_455 = arith.subi %get3A_454, %get3A_451 : i32
      %ge3A_456 = arith.constant 2 : i32
      %ge3A_457 = arith.cmpi sge, %sub3A_455, %ge3A_456 : i32
      %convert_element_type3A_458 = arith.extui %ge3A_457 : i1 to i32
      %ge3A_459 = arith.constant 4 : i32
      %ge3A_460 = arith.cmpi sge, %sub3A_455, %ge3A_459 : i32
      %convert_element_type3A_461 = arith.extui %ge3A_460 : i1 to i32
      %add3A_462 = arith.addi %convert_element_type3A_458, %convert_element_type3A_461 : i32
      %ge3A_463 = arith.constant 4 : i32
      %ge3A_464 = arith.cmpi sge, %sub3A_455, %ge3A_463 : i32
      %ge3A_465 = arith.constant 2 : i32
      %ge3A_466 = arith.cmpi sge, %sub3A_455, %ge3A_465 : i32
      %jit3A_467 = arith.constant 2 : i32
      %jit3A_468 = arith.constant 1 : i32
      %select_n3A_469 = arith.select %ge3A_466, %jit3A_467, %jit3A_468 : i32
      %jit3A_470 = arith.constant 4 : i32
      %select_n3A_471 = arith.select %ge3A_464, %jit3A_470, %select_n3A_469 : i32
      %mul3A_472 = arith.constant 25 : i32
      %mul3A_473 = arith.muli %add3A_462, %mul3A_472 : i32
      %add3A_474 = arith.addi %mul3A_473, %get3A_451 : i32
      %add3A_475 = arith.addi %mul3A_473, %get3A_454 : i32
      %sub3A_476 = arith.subi %add3A_475, %select_n3A_471 : i32
      %max3A_477 = arith.constant 0 : i32
      %max3A_478 = arith.maxsi %sub3A_476, %max3A_477 : i32
      %get3A_479 = arith.index_cast %add3A_474 : i32 to index
      %get3A_480 = arith.constant 0 : index
      %get3A_481 = arith.constant 0 : index
      %get3A_482 = vector.load %arg4[%get3A_479, %get3A_480, %get3A_481] : memref<75x7x512xf32, #tpu.memory_space<vmem>>, vector<1x7x512xf32>
      %get3A_483 = vector.shape_cast %get3A_482 : vector<1x7x512xf32> to vector<7x512xf32>
      %get3A_484 = arith.index_cast %max3A_478 : i32 to index
      %get3A_485 = arith.constant 0 : index
      %get3A_486 = arith.constant 0 : index
      %get3A_487 = vector.load %arg4[%get3A_484, %get3A_485, %get3A_486] : memref<75x7x512xf32, #tpu.memory_space<vmem>>, vector<1x7x512xf32>
      %get3A_488 = vector.shape_cast %get3A_487 : vector<1x7x512xf32> to vector<7x512xf32>
      %max3A_489 = arith.maximumf %get3A_483, %get3A_488 : vector<7x512xf32>
      %gt3A_490 = arith.constant 0 : i32
      %gt3A_491 = arith.cmpi sgt, %sub3A_455, %gt3A_490 : i32
      %jit3A_492 = arith.constant -1.000000e+30 : f32
      %broadcast_in_dim3A_493 = vector.broadcast %jit3A_492 : f32 to vector<7x512xf32>
      %select_n3A_494 = arith.select %gt3A_491, %max3A_489, %broadcast_in_dim3A_493 : vector<7x512xf32>
      %le3A_495 = arith.constant -5.000000e+29 : f32
      %le3A_496 = vector.broadcast %le3A_495 : f32 to vector<7x512xf32>
      %le3A_497 = arith.cmpf ole, %select_n3A_494, %le3A_496 : vector<7x512xf32>
      %jit3A_498 = arith.constant 0.000000e+00 : f32
      %broadcast_in_dim3A_499 = vector.broadcast %jit3A_498 : f32 to vector<7x512xf32>
      %select_n3A_500 = arith.select %le3A_497, %broadcast_in_dim3A_499, %select_n3A_494 : vector<7x512xi1>, vector<7x512xf32>
      %convert_element_type3A_501 = arith.truncf %select_n3A_500 : vector<7x512xf32> to vector<7x512xbf16>
      %swap3A_502 = arith.index_cast %scan3A_4 : i32 to index
      %swap3A_503 = arith.constant 7 : index
      %swap3A_504 = arith.constant 0 : index
      %swap3A_505 = vector.load %arg3[%swap3A_502, %swap3A_503, %swap3A_504] : memref<8x49x512xbf16, #tpu.memory_space<vmem>>, vector<1x7x512xbf16>
      %swap3A_506 = vector.shape_cast %swap3A_505 : vector<1x7x512xbf16> to vector<7x512xbf16>
      %swap3A_507 = vector.shape_cast %convert_element_type3A_501 : vector<7x512xbf16> to vector<1x7x512xbf16>
      tpu.vector_store %arg3[%swap3A_502, %swap3A_503, %swap3A_504], %swap3A_507 {strides = array<i32>} : memref<8x49x512xbf16, #tpu.memory_space<vmem>>, vector<1x7x512xbf16>,
      %get3A_508 = arith.index_cast %scan3A_4 : i32 to index
      %get3A_509 = arith.constant 16 : index
      %get3A_510 = memref.load %arg1[%get3A_508, %get3A_509] : memref<8x28xi32, #tpu.memory_space<smem>>
      %get3A_511 = arith.index_cast %scan3A_4 : i32 to index
      %get3A_512 = arith.constant 23 : index
      %get3A_513 = memref.load %arg1[%get3A_511, %get3A_512] : memref<8x28xi32, #tpu.memory_space<smem>>
      %sub3A_514 = arith.subi %get3A_513, %get3A_510 : i32
      %ge3A_515 = arith.constant 2 : i32
      %ge3A_516 = arith.cmpi sge, %sub3A_514, %ge3A_515 : i32
      %convert_element_type3A_517 = arith.extui %ge3A_516 : i1 to i32
      %ge3A_518 = arith.constant 4 : i32
      %ge3A_519 = arith.cmpi sge, %sub3A_514, %ge3A_518 : i32
      %convert_element_type3A_520 = arith.extui %ge3A_519 : i1 to i32
      %add3A_521 = arith.addi %convert_element_type3A_517, %convert_element_type3A_520 : i32
      %ge3A_522 = arith.constant 4 : i32
      %ge3A_523 = arith.cmpi sge, %sub3A_514, %ge3A_522 : i32
      %ge3A_524 = arith.constant 2 : i32
      %ge3A_525 = arith.cmpi sge, %sub3A_514, %ge3A_524 : i32
      %jit3A_526 = arith.constant 2 : i32
      %jit3A_527 = arith.constant 1 : i32
      %select_n3A_528 = arith.select %ge3A_525, %jit3A_526, %jit3A_527 : i32
      %jit3A_529 = arith.constant 4 : i32
      %select_n3A_530 = arith.select %ge3A_523, %jit3A_529, %select_n3A_528 : i32
      %mul3A_531 = arith.constant 25 : i32
      %mul3A_532 = arith.muli %add3A_521, %mul3A_531 : i32
      %add3A_533 = arith.addi %mul3A_532, %get3A_510 : i32
      %add3A_534 = arith.addi %mul3A_532, %get3A_513 : i32
      %sub3A_535 = arith.subi %add3A_534, %select_n3A_530 : i32
      %max3A_536 = arith.constant 0 : i32
      %max3A_537 = arith.maxsi %sub3A_535, %max3A_536 : i32
      %get3A_538 = arith.index_cast %add3A_533 : i32 to index
      %get3A_539 = arith.constant 0 : index
      %get3A_540 = arith.constant 0 : index
      %get3A_541 = vector.load %arg4[%get3A_538, %get3A_539, %get3A_540] : memref<75x7x512xf32, #tpu.memory_space<vmem>>, vector<1x7x512xf32>
      %get3A_542 = vector.shape_cast %get3A_541 : vector<1x7x512xf32> to vector<7x512xf32>
      %get3A_543 = arith.index_cast %max3A_537 : i32 to index
      %get3A_544 = arith.constant 0 : index
      %get3A_545 = arith.constant 0 : index
      %get3A_546 = vector.load %arg4[%get3A_543, %get3A_544, %get3A_545] : memref<75x7x512xf32, #tpu.memory_space<vmem>>, vector<1x7x512xf32>
      %get3A_547 = vector.shape_cast %get3A_546 : vector<1x7x512xf32> to vector<7x512xf32>
      %max3A_548 = arith.maximumf %get3A_542, %get3A_547 : vector<7x512xf32>
      %gt3A_549 = arith.constant 0 : i32
      %gt3A_550 = arith.cmpi sgt, %sub3A_514, %gt3A_549 : i32
      %jit3A_551 = arith.constant -1.000000e+30 : f32
      %broadcast_in_dim3A_552 = vector.broadcast %jit3A_551 : f32 to vector<7x512xf32>
      %select_n3A_553 = arith.select %gt3A_550, %max3A_548, %broadcast_in_dim3A_552 : vector<7x512xf32>
      %le3A_554 = arith.constant -5.000000e+29 : f32
      %le3A_555 = vector.broadcast %le3A_554 : f32 to vector<7x512xf32>
      %le3A_556 = arith.cmpf ole, %select_n3A_553, %le3A_555 : vector<7x512xf32>
      %jit3A_557 = arith.constant 0.000000e+00 : f32
      %broadcast_in_dim3A_558 = vector.broadcast %jit3A_557 : f32 to vector<7x512xf32>
      %select_n3A_559 = arith.select %le3A_556, %broadcast_in_dim3A_558, %select_n3A_553 : vector<7x512xi1>, vector<7x512xf32>
      %convert_element_type3A_560 = arith.truncf %select_n3A_559 : vector<7x512xf32> to vector<7x512xbf16>
      %swap3A_561 = arith.index_cast %scan3A_4 : i32 to index
      %swap3A_562 = arith.constant 14 : index
      %swap3A_563 = arith.constant 0 : index
      %swap3A_564 = vector.load %arg3[%swap3A_561, %swap3A_562, %swap3A_563] : memref<8x49x512xbf16, #tpu.memory_space<vmem>>, vector<1x7x512xbf16>
      %swap3A_565 = vector.shape_cast %swap3A_564 : vector<1x7x512xbf16> to vector<7x512xbf16>
      %swap3A_566 = vector.shape_cast %convert_element_type3A_560 : vector<7x512xbf16> to vector<1x7x512xbf16>
      tpu.vector_store %arg3[%swap3A_561, %swap3A_562, %swap3A_563], %swap3A_566 {strides = array<i32>} : memref<8x49x512xbf16, #tpu.memory_space<vmem>>, vector<1x7x512xbf16>,
      %get3A_567 = arith.index_cast %scan3A_4 : i32 to index
      %get3A_568 = arith.constant 17 : index
      %get3A_569 = memref.load %arg1[%get3A_567, %get3A_568] : memref<8x28xi32, #tpu.memory_space<smem>>
      %get3A_570 = arith.index_cast %scan3A_4 : i32 to index
      %get3A_571 = arith.constant 24 : index
      %get3A_572 = memref.load %arg1[%get3A_570, %get3A_571] : memref<8x28xi32, #tpu.memory_space<smem>>
      %sub3A_573 = arith.subi %get3A_572, %get3A_569 : i32
      %ge3A_574 = arith.constant 2 : i32
      %ge3A_575 = arith.cmpi sge, %sub3A_573, %ge3A_574 : i32
      %convert_element_type3A_576 = arith.extui %ge3A_575 : i1 to i32
      %ge3A_577 = arith.constant 4 : i32
      %ge3A_578 = arith.cmpi sge, %sub3A_573, %ge3A_577 : i32
      %convert_element_type3A_579 = arith.extui %ge3A_578 : i1 to i32
      %add3A_580 = arith.addi %convert_element_type3A_576, %convert_element_type3A_579 : i32
      %ge3A_581 = arith.constant 4 : i32
      %ge3A_582 = arith.cmpi sge, %sub3A_573, %ge3A_581 : i32
      %ge3A_583 = arith.constant 2 : i32
      %ge3A_584 = arith.cmpi sge, %sub3A_573, %ge3A_583 : i32
      %jit3A_585 = arith.constant 2 : i32
      %jit3A_586 = arith.constant 1 : i32
      %select_n3A_587 = arith.select %ge3A_584, %jit3A_585, %jit3A_586 : i32
      %jit3A_588 = arith.constant 4 : i32
      %select_n3A_589 = arith.select %ge3A_582, %jit3A_588, %select_n3A_587 : i32
      %mul3A_590 = arith.constant 25 : i32
      %mul3A_591 = arith.muli %add3A_580, %mul3A_590 : i32
      %add3A_592 = arith.addi %mul3A_591, %get3A_569 : i32
      %add3A_593 = arith.addi %mul3A_591, %get3A_572 : i32
      %sub3A_594 = arith.subi %add3A_593, %select_n3A_589 : i32
      %max3A_595 = arith.constant 0 : i32
      %max3A_596 = arith.maxsi %sub3A_594, %max3A_595 : i32
      %get3A_597 = arith.index_cast %add3A_592 : i32 to index
      %get3A_598 = arith.constant 0 : index
      %get3A_599 = arith.constant 0 : index
      %get3A_600 = vector.load %arg4[%get3A_597, %get3A_598, %get3A_599] : memref<75x7x512xf32, #tpu.memory_space<vmem>>, vector<1x7x512xf32>
      %get3A_601 = vector.shape_cast %get3A_600 : vector<1x7x512xf32> to vector<7x512xf32>
      %get3A_602 = arith.index_cast %max3A_596 : i32 to index
      %get3A_603 = arith.constant 0 : index
      %get3A_604 = arith.constant 0 : index
      %get3A_605 = vector.load %arg4[%get3A_602, %get3A_603, %get3A_604] : memref<75x7x512xf32, #tpu.memory_space<vmem>>, vector<1x7x512xf32>
      %get3A_606 = vector.shape_cast %get3A_605 : vector<1x7x512xf32> to vector<7x512xf32>
      %max3A_607 = arith.maximumf %get3A_601, %get3A_606 : vector<7x512xf32>
      %gt3A_608 = arith.constant 0 : i32
      %gt3A_609 = arith.cmpi sgt, %sub3A_573, %gt3A_608 : i32
      %jit3A_610 = arith.constant -1.000000e+30 : f32
      %broadcast_in_dim3A_611 = vector.broadcast %jit3A_610 : f32 to vector<7x512xf32>
      %select_n3A_612 = arith.select %gt3A_609, %max3A_607, %broadcast_in_dim3A_611 : vector<7x512xf32>
      %le3A_613 = arith.constant -5.000000e+29 : f32
      %le3A_614 = vector.broadcast %le3A_613 : f32 to vector<7x512xf32>
      %le3A_615 = arith.cmpf ole, %select_n3A_612, %le3A_614 : vector<7x512xf32>
      %jit3A_616 = arith.constant 0.000000e+00 : f32
      %broadcast_in_dim3A_617 = vector.broadcast %jit3A_616 : f32 to vector<7x512xf32>
      %select_n3A_618 = arith.select %le3A_615, %broadcast_in_dim3A_617, %select_n3A_612 : vector<7x512xi1>, vector<7x512xf32>
      %convert_element_type3A_619 = arith.truncf %select_n3A_618 : vector<7x512xf32> to vector<7x512xbf16>
      %swap3A_620 = arith.index_cast %scan3A_4 : i32 to index
      %swap3A_621 = arith.constant 21 : index
      %swap3A_622 = arith.constant 0 : index
      %swap3A_623 = vector.load %arg3[%swap3A_620, %swap3A_621, %swap3A_622] : memref<8x49x512xbf16, #tpu.memory_space<vmem>>, vector<1x7x512xbf16>
      %swap3A_624 = vector.shape_cast %swap3A_623 : vector<1x7x512xbf16> to vector<7x512xbf16>
      %swap3A_625 = vector.shape_cast %convert_element_type3A_619 : vector<7x512xbf16> to vector<1x7x512xbf16>
      tpu.vector_store %arg3[%swap3A_620, %swap3A_621, %swap3A_622], %swap3A_625 {strides = array<i32>} : memref<8x49x512xbf16, #tpu.memory_space<vmem>>, vector<1x7x512xbf16>,
      %get3A_626 = arith.index_cast %scan3A_4 : i32 to index
      %get3A_627 = arith.constant 18 : index
      %get3A_628 = memref.load %arg1[%get3A_626, %get3A_627] : memref<8x28xi32, #tpu.memory_space<smem>>
      %get3A_629 = arith.index_cast %scan3A_4 : i32 to index
      %get3A_630 = arith.constant 25 : index
      %get3A_631 = memref.load %arg1[%get3A_629, %get3A_630] : memref<8x28xi32, #tpu.memory_space<smem>>
      %sub3A_632 = arith.subi %get3A_631, %get3A_628 : i32
      %ge3A_633 = arith.constant 2 : i32
      %ge3A_634 = arith.cmpi sge, %sub3A_632, %ge3A_633 : i32
      %convert_element_type3A_635 = arith.extui %ge3A_634 : i1 to i32
      %ge3A_636 = arith.constant 4 : i32
      %ge3A_637 = arith.cmpi sge, %sub3A_632, %ge3A_636 : i32
      %convert_element_type3A_638 = arith.extui %ge3A_637 : i1 to i32
      %add3A_639 = arith.addi %convert_element_type3A_635, %convert_element_type3A_638 : i32
      %ge3A_640 = arith.constant 4 : i32
      %ge3A_641 = arith.cmpi sge, %sub3A_632, %ge3A_640 : i32
      %ge3A_642 = arith.constant 2 : i32
      %ge3A_643 = arith.cmpi sge, %sub3A_632, %ge3A_642 : i32
      %jit3A_644 = arith.constant 2 : i32
      %jit3A_645 = arith.constant 1 : i32
      %select_n3A_646 = arith.select %ge3A_643, %jit3A_644, %jit3A_645 : i32
      %jit3A_647 = arith.constant 4 : i32
      %select_n3A_648 = arith.select %ge3A_641, %jit3A_647, %select_n3A_646 : i32
      %mul3A_649 = arith.constant 25 : i32
      %mul3A_650 = arith.muli %add3A_639, %mul3A_649 : i32
      %add3A_651 = arith.addi %mul3A_650, %get3A_628 : i32
      %add3A_652 = arith.addi %mul3A_650, %get3A_631 : i32
      %sub3A_653 = arith.subi %add3A_652, %select_n3A_648 : i32
      %max3A_654 = arith.constant 0 : i32
      %max3A_655 = arith.maxsi %sub3A_653, %max3A_654 : i32
      %get3A_656 = arith.index_cast %add3A_651 : i32 to index
      %get3A_657 = arith.constant 0 : index
      %get3A_658 = arith.constant 0 : index
      %get3A_659 = vector.load %arg4[%get3A_656, %get3A_657, %get3A_658] : memref<75x7x512xf32, #tpu.memory_space<vmem>>, vector<1x7x512xf32>
      %get3A_660 = vector.shape_cast %get3A_659 : vector<1x7x512xf32> to vector<7x512xf32>
      %get3A_661 = arith.index_cast %max3A_655 : i32 to index
      %get3A_662 = arith.constant 0 : index
      %get3A_663 = arith.constant 0 : index
      %get3A_664 = vector.load %arg4[%get3A_661, %get3A_662, %get3A_663] : memref<75x7x512xf32, #tpu.memory_space<vmem>>, vector<1x7x512xf32>
      %get3A_665 = vector.shape_cast %get3A_664 : vector<1x7x512xf32> to vector<7x512xf32>
      %max3A_666 = arith.maximumf %get3A_660, %get3A_665 : vector<7x512xf32>
      %gt3A_667 = arith.constant 0 : i32
      %gt3A_668 = arith.cmpi sgt, %sub3A_632, %gt3A_667 : i32
      %jit3A_669 = arith.constant -1.000000e+30 : f32
      %broadcast_in_dim3A_670 = vector.broadcast %jit3A_669 : f32 to vector<7x512xf32>
      %select_n3A_671 = arith.select %gt3A_668, %max3A_666, %broadcast_in_dim3A_670 : vector<7x512xf32>
      %le3A_672 = arith.constant -5.000000e+29 : f32
      %le3A_673 = vector.broadcast %le3A_672 : f32 to vector<7x512xf32>
      %le3A_674 = arith.cmpf ole, %select_n3A_671, %le3A_673 : vector<7x512xf32>
      %jit3A_675 = arith.constant 0.000000e+00 : f32
      %broadcast_in_dim3A_676 = vector.broadcast %jit3A_675 : f32 to vector<7x512xf32>
      %select_n3A_677 = arith.select %le3A_674, %broadcast_in_dim3A_676, %select_n3A_671 : vector<7x512xi1>, vector<7x512xf32>
      %convert_element_type3A_678 = arith.truncf %select_n3A_677 : vector<7x512xf32> to vector<7x512xbf16>
      %swap3A_679 = arith.index_cast %scan3A_4 : i32 to index
      %swap3A_680 = arith.constant 28 : index
      %swap3A_681 = arith.constant 0 : index
      %swap3A_682 = vector.load %arg3[%swap3A_679, %swap3A_680, %swap3A_681] : memref<8x49x512xbf16, #tpu.memory_space<vmem>>, vector<1x7x512xbf16>
      %swap3A_683 = vector.shape_cast %swap3A_682 : vector<1x7x512xbf16> to vector<7x512xbf16>
      %swap3A_684 = vector.shape_cast %convert_element_type3A_678 : vector<7x512xbf16> to vector<1x7x512xbf16>
      tpu.vector_store %arg3[%swap3A_679, %swap3A_680, %swap3A_681], %swap3A_684 {strides = array<i32>} : memref<8x49x512xbf16, #tpu.memory_space<vmem>>, vector<1x7x512xbf16>,
      %get3A_685 = arith.index_cast %scan3A_4 : i32 to index
      %get3A_686 = arith.constant 19 : index
      %get3A_687 = memref.load %arg1[%get3A_685, %get3A_686] : memref<8x28xi32, #tpu.memory_space<smem>>
      %get3A_688 = arith.index_cast %scan3A_4 : i32 to index
      %get3A_689 = arith.constant 26 : index
      %get3A_690 = memref.load %arg1[%get3A_688, %get3A_689] : memref<8x28xi32, #tpu.memory_space<smem>>
      %sub3A_691 = arith.subi %get3A_690, %get3A_687 : i32
      %ge3A_692 = arith.constant 2 : i32
      %ge3A_693 = arith.cmpi sge, %sub3A_691, %ge3A_692 : i32
      %convert_element_type3A_694 = arith.extui %ge3A_693 : i1 to i32
      %ge3A_695 = arith.constant 4 : i32
      %ge3A_696 = arith.cmpi sge, %sub3A_691, %ge3A_695 : i32
      %convert_element_type3A_697 = arith.extui %ge3A_696 : i1 to i32
      %add3A_698 = arith.addi %convert_element_type3A_694, %convert_element_type3A_697 : i32
      %ge3A_699 = arith.constant 4 : i32
      %ge3A_700 = arith.cmpi sge, %sub3A_691, %ge3A_699 : i32
      %ge3A_701 = arith.constant 2 : i32
      %ge3A_702 = arith.cmpi sge, %sub3A_691, %ge3A_701 : i32
      %jit3A_703 = arith.constant 2 : i32
      %jit3A_704 = arith.constant 1 : i32
      %select_n3A_705 = arith.select %ge3A_702, %jit3A_703, %jit3A_704 : i32
      %jit3A_706 = arith.constant 4 : i32
      %select_n3A_707 = arith.select %ge3A_700, %jit3A_706, %select_n3A_705 : i32
      %mul3A_708 = arith.constant 25 : i32
      %mul3A_709 = arith.muli %add3A_698, %mul3A_708 : i32
      %add3A_710 = arith.addi %mul3A_709, %get3A_687 : i32
      %add3A_711 = arith.addi %mul3A_709, %get3A_690 : i32
      %sub3A_712 = arith.subi %add3A_711, %select_n3A_707 : i32
      %max3A_713 = arith.constant 0 : i32
      %max3A_714 = arith.maxsi %sub3A_712, %max3A_713 : i32
      %get3A_715 = arith.index_cast %add3A_710 : i32 to index
      %get3A_716 = arith.constant 0 : index
      %get3A_717 = arith.constant 0 : index
      %get3A_718 = vector.load %arg4[%get3A_715, %get3A_716, %get3A_717] : memref<75x7x512xf32, #tpu.memory_space<vmem>>, vector<1x7x512xf32>
      %get3A_719 = vector.shape_cast %get3A_718 : vector<1x7x512xf32> to vector<7x512xf32>
      %get3A_720 = arith.index_cast %max3A_714 : i32 to index
      %get3A_721 = arith.constant 0 : index
      %get3A_722 = arith.constant 0 : index
      %get3A_723 = vector.load %arg4[%get3A_720, %get3A_721, %get3A_722] : memref<75x7x512xf32, #tpu.memory_space<vmem>>, vector<1x7x512xf32>
      %get3A_724 = vector.shape_cast %get3A_723 : vector<1x7x512xf32> to vector<7x512xf32>
      %max3A_725 = arith.maximumf %get3A_719, %get3A_724 : vector<7x512xf32>
      %gt3A_726 = arith.constant 0 : i32
      %gt3A_727 = arith.cmpi sgt, %sub3A_691, %gt3A_726 : i32
      %jit3A_728 = arith.constant -1.000000e+30 : f32
      %broadcast_in_dim3A_729 = vector.broadcast %jit3A_728 : f32 to vector<7x512xf32>
      %select_n3A_730 = arith.select %gt3A_727, %max3A_725, %broadcast_in_dim3A_729 : vector<7x512xf32>
      %le3A_731 = arith.constant -5.000000e+29 : f32
      %le3A_732 = vector.broadcast %le3A_731 : f32 to vector<7x512xf32>
      %le3A_733 = arith.cmpf ole, %select_n3A_730, %le3A_732 : vector<7x512xf32>
      %jit3A_734 = arith.constant 0.000000e+00 : f32
      %broadcast_in_dim3A_735 = vector.broadcast %jit3A_734 : f32 to vector<7x512xf32>
      %select_n3A_736 = arith.select %le3A_733, %broadcast_in_dim3A_735, %select_n3A_730 : vector<7x512xi1>, vector<7x512xf32>
      %convert_element_type3A_737 = arith.truncf %select_n3A_736 : vector<7x512xf32> to vector<7x512xbf16>
      %swap3A_738 = arith.index_cast %scan3A_4 : i32 to index
      %swap3A_739 = arith.constant 35 : index
      %swap3A_740 = arith.constant 0 : index
      %swap3A_741 = vector.load %arg3[%swap3A_738, %swap3A_739, %swap3A_740] : memref<8x49x512xbf16, #tpu.memory_space<vmem>>, vector<1x7x512xbf16>
      %swap3A_742 = vector.shape_cast %swap3A_741 : vector<1x7x512xbf16> to vector<7x512xbf16>
      %swap3A_743 = vector.shape_cast %convert_element_type3A_737 : vector<7x512xbf16> to vector<1x7x512xbf16>
      tpu.vector_store %arg3[%swap3A_738, %swap3A_739, %swap3A_740], %swap3A_743 {strides = array<i32>} : memref<8x49x512xbf16, #tpu.memory_space<vmem>>, vector<1x7x512xbf16>,
      %get3A_744 = arith.index_cast %scan3A_4 : i32 to index
      %get3A_745 = arith.constant 20 : index
      %get3A_746 = memref.load %arg1[%get3A_744, %get3A_745] : memref<8x28xi32, #tpu.memory_space<smem>>
      %get3A_747 = arith.index_cast %scan3A_4 : i32 to index
      %get3A_748 = arith.constant 27 : index
      %get3A_749 = memref.load %arg1[%get3A_747, %get3A_748] : memref<8x28xi32, #tpu.memory_space<smem>>
      %sub3A_750 = arith.subi %get3A_749, %get3A_746 : i32
      %ge3A_751 = arith.constant 2 : i32
      %ge3A_752 = arith.cmpi sge, %sub3A_750, %ge3A_751 : i32
      %convert_element_type3A_753 = arith.extui %ge3A_752 : i1 to i32
      %ge3A_754 = arith.constant 4 : i32
      %ge3A_755 = arith.cmpi sge, %sub3A_750, %ge3A_754 : i32
      %convert_element_type3A_756 = arith.extui %ge3A_755 : i1 to i32
      %add3A_757 = arith.addi %convert_element_type3A_753, %convert_element_type3A_756 : i32
      %ge3A_758 = arith.constant 4 : i32
      %ge3A_759 = arith.cmpi sge, %sub3A_750, %ge3A_758 : i32
      %ge3A_760 = arith.constant 2 : i32
      %ge3A_761 = arith.cmpi sge, %sub3A_750, %ge3A_760 : i32
      %jit3A_762 = arith.constant 2 : i32
      %jit3A_763 = arith.constant 1 : i32
      %select_n3A_764 = arith.select %ge3A_761, %jit3A_762, %jit3A_763 : i32
      %jit3A_765 = arith.constant 4 : i32
      %select_n3A_766 = arith.select %ge3A_759, %jit3A_765, %select_n3A_764 : i32
      %mul3A_767 = arith.constant 25 : i32
      %mul3A_768 = arith.muli %add3A_757, %mul3A_767 : i32
      %add3A_769 = arith.addi %mul3A_768, %get3A_746 : i32
      %add3A_770 = arith.addi %mul3A_768, %get3A_749 : i32
      %sub3A_771 = arith.subi %add3A_770, %select_n3A_766 : i32
      %max3A_772 = arith.constant 0 : i32
      %max3A_773 = arith.maxsi %sub3A_771, %max3A_772 : i32
      %get3A_774 = arith.index_cast %add3A_769 : i32 to index
      %get3A_775 = arith.constant 0 : index
      %get3A_776 = arith.constant 0 : index
      %get3A_777 = vector.load %arg4[%get3A_774, %get3A_775, %get3A_776] : memref<75x7x512xf32, #tpu.memory_space<vmem>>, vector<1x7x512xf32>
      %get3A_778 = vector.shape_cast %get3A_777 : vector<1x7x512xf32> to vector<7x512xf32>
      %get3A_779 = arith.index_cast %max3A_773 : i32 to index
      %get3A_780 = arith.constant 0 : index
      %get3A_781 = arith.constant 0 : index
      %get3A_782 = vector.load %arg4[%get3A_779, %get3A_780, %get3A_781] : memref<75x7x512xf32, #tpu.memory_space<vmem>>, vector<1x7x512xf32>
      %get3A_783 = vector.shape_cast %get3A_782 : vector<1x7x512xf32> to vector<7x512xf32>
      %max3A_784 = arith.maximumf %get3A_778, %get3A_783 : vector<7x512xf32>
      %gt3A_785 = arith.constant 0 : i32
      %gt3A_786 = arith.cmpi sgt, %sub3A_750, %gt3A_785 : i32
      %jit3A_787 = arith.constant -1.000000e+30 : f32
      %broadcast_in_dim3A_788 = vector.broadcast %jit3A_787 : f32 to vector<7x512xf32>
      %select_n3A_789 = arith.select %gt3A_786, %max3A_784, %broadcast_in_dim3A_788 : vector<7x512xf32>
      %le3A_790 = arith.constant -5.000000e+29 : f32
      %le3A_791 = vector.broadcast %le3A_790 : f32 to vector<7x512xf32>
      %le3A_792 = arith.cmpf ole, %select_n3A_789, %le3A_791 : vector<7x512xf32>
      %jit3A_793 = arith.constant 0.000000e+00 : f32
      %broadcast_in_dim3A_794 = vector.broadcast %jit3A_793 : f32 to vector<7x512xf32>
      %select_n3A_795 = arith.select %le3A_792, %broadcast_in_dim3A_794, %select_n3A_789 : vector<7x512xi1>, vector<7x512xf32>
      %convert_element_type3A_796 = arith.truncf %select_n3A_795 : vector<7x512xf32> to vector<7x512xbf16>
      %swap3A_797 = arith.index_cast %scan3A_4 : i32 to index
      %swap3A_798 = arith.constant 42 : index
      %swap3A_799 = arith.constant 0 : index
      %swap3A_800 = vector.load %arg3[%swap3A_797, %swap3A_798, %swap3A_799] : memref<8x49x512xbf16, #tpu.memory_space<vmem>>, vector<1x7x512xbf16>
      %swap3A_801 = vector.shape_cast %swap3A_800 : vector<1x7x512xbf16> to vector<7x512xbf16>
      %swap3A_802 = vector.shape_cast %convert_element_type3A_796 : vector<7x512xbf16> to vector<1x7x512xbf16>
      tpu.vector_store %arg3[%swap3A_797, %swap3A_798, %swap3A_799], %swap3A_802 {strides = array<i32>} : memref<8x49x512xbf16, #tpu.memory_space<vmem>>, vector<1x7x512xbf16>,
    }
    %scan3A_3 = arith.constant 8 : i32
    return
  }
  func.func @transform_0(%arg0: i32) -> (i32, i32) {
    %c0_i32 = arith.constant 0 : i32
    %c0_i32_0 = arith.constant 0 : i32
    return %arg0, %c0_i32 : i32, i32
  }
  func.func @transform_1(%arg0: i32) -> (i32, i32, i32) {
    %c0_i32 = arith.constant 0 : i32
    %c0_i32_0 = arith.constant 0 : i32
    %c0_i32_1 = arith.constant 0 : i32
    %c0_i32_2 = arith.constant 0 : i32
    return %c0_i32, %c0_i32_0, %c0_i32_1 : i32, i32, i32
  }
  func.func @transform_2(%arg0: i32) -> (i32, i32, i32) {
    %c0_i32 = arith.constant 0 : i32
    %c0_i32_0 = arith.constant 0 : i32
    %c0_i32_1 = arith.constant 0 : i32
    return %arg0, %c0_i32, %c0_i32_0 : i32, i32, i32
  }
}

module attributes {stable_mosaic.version = 14 : i64} {
  func.func @_fc1_kernel(%arg0: i32, %arg1: memref<1024x3584xbf16, #tpu.memory_space<vmem>>, %arg2: memref<3584x1024xbf16, #tpu.memory_space<vmem>>, %arg3: memref<1x1024xf32, #tpu.memory_space<vmem>>, %arg4: memref<1024x1024xf32, #tpu.memory_space<vmem>>) attributes {dimension_semantics = [#tpu.dimension_semantics<arbitrary>], iteration_bounds = array<i64: 7>, scalar_prefetch = 0 : i64, scratch_operands = 0 : i64, tpu.core_type = #tpu.core_type<tc>, window_params = [{transform_indices = @transform_0, window_bounds = array<i64: 1024, 3584>}, {transform_indices = @transform_1, window_bounds = array<i64: 3584, 1024>}, {pipeline_mode = #tpu.pipeline_mode<synchronous>, transform_indices = @transform_2, window_bounds = array<i64: 1, 1024>}, {pipeline_mode = #tpu.pipeline_mode<synchronous>, transform_indices = @transform_3, window_bounds = array<i64: 1024, 1024>}]} {
    %eq3A = arith.constant 0 : i32
    %eq3A_0 = arith.cmpi eq, %arg0, %eq3A : i32
    %convert_element_type3A = arith.extui %eq3A_0 : i1 to i32
    %cond3A = arith.constant 0 : i32
    %cond3A_1 = arith.cmpi ne, %convert_element_type3A, %cond3A : i32
    scf.if %cond3A_1 {
      %broadcast_in_dim3A = arith.constant 0.000000e+00 : f32
      %broadcast_in_dim3A_18 = vector.broadcast %broadcast_in_dim3A : f32 to vector<1024x1024xf32>
      %swap3A_19 = arith.constant 0 : index
      %swap3A_20 = arith.constant 0 : index
      %swap3A_21 = vector.load %arg4[%swap3A_19, %swap3A_20] : memref<1024x1024xf32, #tpu.memory_space<vmem>>, vector<1024x1024xf32>
      tpu.vector_store %arg4[%swap3A_19, %swap3A_20], %broadcast_in_dim3A_18 {strides = array<i32>} : memref<1024x1024xf32, #tpu.memory_space<vmem>>, vector<1024x1024xf32>,
    } else {
    }
    %get3A = arith.constant 0 : index
    %get3A_2 = arith.constant 0 : index
    %get3A_3 = vector.load %arg4[%get3A, %get3A_2] : memref<1024x1024xf32, #tpu.memory_space<vmem>>, vector<1024x1024xf32>
    %get3A_4 = arith.constant 0 : index
    %get3A_5 = arith.constant 0 : index
    %get3A_6 = vector.load %arg1[%get3A_4, %get3A_5] : memref<1024x3584xbf16, #tpu.memory_space<vmem>>, vector<1024x3584xbf16>
    %get3A_7 = arith.constant 0 : index
    %get3A_8 = arith.constant 0 : index
    %get3A_9 = vector.load %arg2[%get3A_7, %get3A_8] : memref<3584x1024xbf16, #tpu.memory_space<vmem>>, vector<3584x1024xbf16>
    %dot_general3A = arith.constant dense<0.000000e+00> : vector<1024x1024xf32>
    %dot_general3A_10 = tpu.matmul %get3A_6, %get3A_9, %dot_general3A {dimension_numbers = #tpu.dot_dimension_numbers<[1], [0], [0], [1], [0, 0, 1, 1], [], []>, transpose_lhs_hint = false} : vector<1024x3584xbf16>, vector<3584x1024xbf16>, vector<1024x1024xf32> -> vector<1024x1024xf32>
    %add3A = arith.addf %get3A_3, %dot_general3A_10 : vector<1024x1024xf32>
    %swap3A = arith.constant 0 : index
    %swap3A_11 = arith.constant 0 : index
    %swap3A_12 = vector.load %arg4[%swap3A, %swap3A_11] : memref<1024x1024xf32, #tpu.memory_space<vmem>>, vector<1024x1024xf32>
    tpu.vector_store %arg4[%swap3A, %swap3A_11], %add3A {strides = array<i32>} : memref<1024x1024xf32, #tpu.memory_space<vmem>>, vector<1024x1024xf32>,
    %eq3A_13 = arith.constant 6 : i32
    %eq3A_14 = arith.cmpi eq, %arg0, %eq3A_13 : i32
    %convert_element_type3A_15 = arith.extui %eq3A_14 : i1 to i32
    %cond3A_16 = arith.constant 0 : i32
    %cond3A_17 = arith.cmpi ne, %convert_element_type3A_15, %cond3A_16 : i32
    scf.if %cond3A_17 {
      %get3A_18 = arith.constant 0 : index
      %get3A_19 = arith.constant 0 : index
      %get3A_20 = vector.load %arg4[%get3A_18, %get3A_19] : memref<1024x1024xf32, #tpu.memory_space<vmem>>, vector<1024x1024xf32>
      %get3A_21 = arith.constant 0 : index
      %get3A_22 = arith.constant 0 : index
      %get3A_23 = vector.load %arg3[%get3A_21, %get3A_22] : memref<1x1024xf32, #tpu.memory_space<vmem>>, vector<1x1024xf32>
      %add3A_24 = vector.broadcast %get3A_23 : vector<1x1024xf32> to vector<1024x1024xf32>
      %add3A_25 = arith.addf %get3A_20, %add3A_24 : vector<1024x1024xf32>
      %max3A = arith.constant 0.000000e+00 : f32
      %max3A_26 = vector.broadcast %max3A : f32 to vector<1024x1024xf32>
      %max3A_27 = arith.maximumf %add3A_25, %max3A_26 : vector<1024x1024xf32>
      %swap3A_28 = arith.constant 0 : index
      %swap3A_29 = arith.constant 0 : index
      %swap3A_30 = vector.load %arg4[%swap3A_28, %swap3A_29] : memref<1024x1024xf32, #tpu.memory_space<vmem>>, vector<1024x1024xf32>
      tpu.vector_store %arg4[%swap3A_28, %swap3A_29], %max3A_27 {strides = array<i32>} : memref<1024x1024xf32, #tpu.memory_space<vmem>>, vector<1024x1024xf32>,
    } else {
    }
    return
  }
  func.func @transform_0(%arg0: i32) -> (i32, i32) {
    %c0_i32 = arith.constant 0 : i32
    %c0_i32_0 = arith.constant 0 : i32
    return %c0_i32, %arg0 : i32, i32
  }
  func.func @transform_1(%arg0: i32) -> (i32, i32) {
    %c0_i32 = arith.constant 0 : i32
    %c0_i32_0 = arith.constant 0 : i32
    return %arg0, %c0_i32 : i32, i32
  }
  func.func @transform_2(%arg0: i32) -> (i32, i32) {
    %c0_i32 = arith.constant 0 : i32
    %c0_i32_0 = arith.constant 0 : i32
    %c0_i32_1 = arith.constant 0 : i32
    return %c0_i32, %c0_i32_0 : i32, i32
  }
  func.func @transform_3(%arg0: i32) -> (i32, i32) {
    %c0_i32 = arith.constant 0 : i32
    %c0_i32_0 = arith.constant 0 : i32
    %c0_i32_1 = arith.constant 0 : i32
    return %c0_i32, %c0_i32_0 : i32, i32
  }
}

module attributes {stable_mosaic.version = 14 : i64} {
  func.func @_head_kernel(%arg0: i32, %arg1: memref<128x1024xf32, #tpu.memory_space<vmem>>, %arg2: memref<1024x1024xbf16, #tpu.memory_space<vmem>>, %arg3: memref<1x1024xf32, #tpu.memory_space<vmem>>, %arg4: memref<1024x105xbf16, #tpu.memory_space<vmem>>, %arg5: memref<1x105xf32, #tpu.memory_space<vmem>>, %arg6: memref<128x4xf32, #tpu.memory_space<vmem>>, %arg7: memref<2xi32, #tpu.memory_space<smem>>, %arg8: memref<128x105xf32, #tpu.memory_space<vmem>>) attributes {dimension_semantics = [#tpu.dimension_semantics<arbitrary>], iteration_bounds = array<i64: 8>, scalar_prefetch = 0 : i64, scratch_operands = 0 : i64, tpu.core_type = #tpu.core_type<tc>, window_params = [{transform_indices = @transform_0, window_bounds = array<i64: 128, 1024>}, {pipeline_mode = #tpu.pipeline_mode<synchronous>, transform_indices = @transform_1, window_bounds = array<i64: 1024, 1024>}, {pipeline_mode = #tpu.pipeline_mode<synchronous>, transform_indices = @transform_2, window_bounds = array<i64: 1, 1024>}, {pipeline_mode = #tpu.pipeline_mode<synchronous>, transform_indices = @transform_3, window_bounds = array<i64: 1024, 105>}, {pipeline_mode = #tpu.pipeline_mode<synchronous>, transform_indices = @transform_4, window_bounds = array<i64: 1, 105>}, {transform_indices = @transform_5, window_bounds = array<i64: 128, 4>}, {transform_indices = @transform_6, window_bounds = array<i64: 2>}, {transform_indices = @transform_7, window_bounds = array<i64: 128, 105>}]} {
    %get3A = arith.constant 0 : index
    %get3A_0 = arith.constant 0 : index
    %get3A_1 = vector.load %arg1[%get3A, %get3A_0] : memref<128x1024xf32, #tpu.memory_space<vmem>>, vector<128x1024xf32>
    %convert_element_type3A = arith.truncf %get3A_1 : vector<128x1024xf32> to vector<128x1024xbf16>
    %get3A_2 = arith.constant 0 : index
    %get3A_3 = arith.constant 0 : index
    %get3A_4 = vector.load %arg2[%get3A_2, %get3A_3] : memref<1024x1024xbf16, #tpu.memory_space<vmem>>, vector<1024x1024xbf16>
    %dot_general3A = arith.constant dense<0.000000e+00> : vector<128x1024xf32>
    %dot_general3A_5 = tpu.matmul %convert_element_type3A, %get3A_4, %dot_general3A {dimension_numbers = #tpu.dot_dimension_numbers<[1], [0], [0], [1], [0, 0, 1, 1], [], []>, transpose_lhs_hint = false} : vector<128x1024xbf16>, vector<1024x1024xbf16>, vector<128x1024xf32> -> vector<128x1024xf32>
    %get3A_6 = arith.constant 0 : index
    %get3A_7 = arith.constant 0 : index
    %get3A_8 = vector.load %arg3[%get3A_6, %get3A_7] : memref<1x1024xf32, #tpu.memory_space<vmem>>, vector<1x1024xf32>
    %add3A = vector.broadcast %get3A_8 : vector<1x1024xf32> to vector<128x1024xf32>
    %add3A_9 = arith.addf %dot_general3A_5, %add3A : vector<128x1024xf32>
    %max3A = arith.constant 0.000000e+00 : f32
    %max3A_10 = vector.broadcast %max3A : f32 to vector<128x1024xf32>
    %max3A_11 = arith.maximumf %add3A_9, %max3A_10 : vector<128x1024xf32>
    %convert_element_type3A_12 = arith.truncf %max3A_11 : vector<128x1024xf32> to vector<128x1024xbf16>
    %get3A_13 = arith.constant 0 : index
    %get3A_14 = arith.constant 0 : index
    %get3A_15 = vector.load %arg4[%get3A_13, %get3A_14] : memref<1024x105xbf16, #tpu.memory_space<vmem>>, vector<1024x105xbf16>
    %dot_general3A_16 = arith.constant dense<0.000000e+00> : vector<128x105xf32>
    %dot_general3A_17 = tpu.matmul %convert_element_type3A_12, %get3A_15, %dot_general3A_16 {dimension_numbers = #tpu.dot_dimension_numbers<[1], [0], [0], [1], [0, 0, 1, 1], [], []>, transpose_lhs_hint = false} : vector<128x1024xbf16>, vector<1024x105xbf16>, vector<128x105xf32> -> vector<128x105xf32>
    %get3A_18 = arith.constant 0 : index
    %get3A_19 = arith.constant 0 : index
    %get3A_20 = vector.load %arg5[%get3A_18, %get3A_19] : memref<1x105xf32, #tpu.memory_space<vmem>>, vector<1x105xf32>
    %add3A_21 = vector.broadcast %get3A_20 : vector<1x105xf32> to vector<128x105xf32>
    %add3A_22 = arith.addf %dot_general3A_17, %add3A_21 : vector<128x105xf32>
    %slice3A = vector.extract_strided_slice %add3A_22 {offsets = [0, 0], sizes = [128, 21], strides = [1, 1]} : vector<128x105xf32> to vector<128x21xf32>
    %slice3A_23 = vector.extract_strided_slice %add3A_22 {offsets = [0, 21], sizes = [128, 84], strides = [1, 1]} : vector<128x105xf32> to vector<128x84xf32>
    %get3A_24 = arith.constant 0 : index
    %get3A_25 = arith.constant 0 : index
    %get3A_26 = vector.load %arg6[%get3A_24, %get3A_25] : memref<128x4xf32, #tpu.memory_space<vmem>>, vector<128x1xf32>
    %get3A_27 = arith.constant 0 : index
    %get3A_28 = arith.constant 1 : index
    %get3A_29 = vector.load %arg6[%get3A_27, %get3A_28] : memref<128x4xf32, #tpu.memory_space<vmem>>, vector<128x1xf32>
    %get3A_30 = arith.constant 0 : index
    %get3A_31 = arith.constant 2 : index
    %get3A_32 = vector.load %arg6[%get3A_30, %get3A_31] : memref<128x4xf32, #tpu.memory_space<vmem>>, vector<128x1xf32>
    %get3A_33 = arith.constant 0 : index
    %get3A_34 = arith.constant 3 : index
    %get3A_35 = vector.load %arg6[%get3A_33, %get3A_34] : memref<128x4xf32, #tpu.memory_space<vmem>>, vector<128x1xf32>
    %sub3A = arith.subf %get3A_32, %get3A_26 : vector<128x1xf32>
    %sub3A_36 = arith.subf %get3A_35, %get3A_29 : vector<128x1xf32>
    %mul3A = arith.constant 5.000000e-01 : f32
    %mul3A_37 = vector.broadcast %mul3A : f32 to vector<128x1xf32>
    %mul3A_38 = arith.mulf %mul3A_37, %sub3A : vector<128x1xf32>
    %add3A_39 = arith.addf %get3A_26, %mul3A_38 : vector<128x1xf32>
    %mul3A_40 = arith.constant 5.000000e-01 : f32
    %mul3A_41 = vector.broadcast %mul3A_40 : f32 to vector<128x1xf32>
    %mul3A_42 = arith.mulf %mul3A_41, %sub3A_36 : vector<128x1xf32>
    %add3A_43 = arith.addf %get3A_29, %mul3A_42 : vector<128x1xf32>
    %iota3A = tpu.iota {dimensions = array<i32: 1>} : vector<128x84xi32>
    %jit3A = arith.constant 4 : i32
    %eq3A = arith.constant 0 : i32
    %eq3A_44 = arith.cmpi eq, %jit3A, %eq3A : i32
    %jit3A_45 = arith.constant 1 : i32
    %select_n3A = arith.select %eq3A_44, %jit3A_45, %jit3A : i32
    %rem3A = vector.broadcast %select_n3A : i32 to vector<128x84xi32>
    %rem3A_46 = arith.remsi %iota3A, %rem3A : vector<128x84xi32>
    %ne3A = arith.constant 0 : i32
    %ne3A_47 = vector.broadcast %ne3A : i32 to vector<128x84xi32>
    %ne3A_48 = arith.cmpi ne, %rem3A_46, %ne3A_47 : vector<128x84xi32>
    %lt3A = arith.constant 0 : i32
    %lt3A_49 = vector.broadcast %lt3A : i32 to vector<128x84xi32>
    %lt3A_50 = arith.cmpi slt, %rem3A_46, %lt3A_49 : vector<128x84xi32>
    %lt3A_51 = arith.constant 0 : i32
    %lt3A_52 = arith.cmpi slt, %select_n3A, %lt3A_51 : i32
    %ne3A_53 = vector.broadcast %lt3A_52 : i1 to vector<128x84xi1>
    %ne3A_54 = vector.broadcast %ne3A_53 : vector<128x84xi1> to vector<128x84xi1>
    %ne3A_55 = arith.xori %lt3A_50, %ne3A_54 : vector<128x84xi1>
    %and3A = arith.andi %ne3A_55, %ne3A_48 : vector<128x84xi1>
    %add3A_56 = vector.broadcast %select_n3A : i32 to vector<128x84xi32>
    %add3A_57 = arith.addi %rem3A_46, %add3A_56 : vector<128x84xi32>
    %select_n3A_58 = arith.select %and3A, %add3A_57, %rem3A_46 : vector<128x84xi1>, vector<128x84xi32>
    %jit3A_59 = arith.constant 2 : i32
    %eq3A_60 = arith.constant 0 : i32
    %eq3A_61 = arith.cmpi eq, %jit3A_59, %eq3A_60 : i32
    %jit3A_62 = arith.constant 1 : i32
    %select_n3A_63 = arith.select %eq3A_61, %jit3A_62, %jit3A_59 : i32
    %rem3A_64 = vector.broadcast %select_n3A_63 : i32 to vector<128x84xi32>
    %rem3A_65 = arith.remsi %select_n3A_58, %rem3A_64 : vector<128x84xi32>
    %ne3A_66 = arith.constant 0 : i32
    %ne3A_67 = vector.broadcast %ne3A_66 : i32 to vector<128x84xi32>
    %ne3A_68 = arith.cmpi ne, %rem3A_65, %ne3A_67 : vector<128x84xi32>
    %lt3A_69 = arith.constant 0 : i32
    %lt3A_70 = vector.broadcast %lt3A_69 : i32 to vector<128x84xi32>
    %lt3A_71 = arith.cmpi slt, %rem3A_65, %lt3A_70 : vector<128x84xi32>
    %lt3A_72 = arith.constant 0 : i32
    %lt3A_73 = arith.cmpi slt, %select_n3A_63, %lt3A_72 : i32
    %ne3A_74 = vector.broadcast %lt3A_73 : i1 to vector<128x84xi1>
    %ne3A_75 = vector.broadcast %ne3A_74 : vector<128x84xi1> to vector<128x84xi1>
    %ne3A_76 = arith.xori %lt3A_71, %ne3A_75 : vector<128x84xi1>
    %and3A_77 = arith.andi %ne3A_76, %ne3A_68 : vector<128x84xi1>
    %add3A_78 = vector.broadcast %select_n3A_63 : i32 to vector<128x84xi32>
    %add3A_79 = arith.addi %rem3A_65, %add3A_78 : vector<128x84xi32>
    %select_n3A_80 = arith.select %and3A_77, %add3A_79, %rem3A_65 : vector<128x84xi1>, vector<128x84xi32>
    %eq3A_81 = arith.constant 0 : i32
    %eq3A_82 = vector.broadcast %eq3A_81 : i32 to vector<128x84xi32>
    %eq3A_83 = arith.cmpi eq, %select_n3A_80, %eq3A_82 : vector<128x84xi32>
    %broadcast_in_dim3A = vector.shape_cast %sub3A : vector<128x1xf32> to vector<128x1xf32>
    %broadcast_in_dim3A_84 = vector.broadcast %broadcast_in_dim3A : vector<128x1xf32> to vector<128x84xf32>
    %broadcast_in_dim3A_85 = vector.shape_cast %sub3A_36 : vector<128x1xf32> to vector<128x1xf32>
    %broadcast_in_dim3A_86 = vector.broadcast %broadcast_in_dim3A_85 : vector<128x1xf32> to vector<128x84xf32>
    %select_n3A_87 = arith.select %eq3A_83, %broadcast_in_dim3A_84, %broadcast_in_dim3A_86 : vector<128x84xi1>, vector<128x84xf32>
    %broadcast_in_dim3A_88 = vector.shape_cast %add3A_39 : vector<128x1xf32> to vector<128x1xf32>
    %broadcast_in_dim3A_89 = vector.broadcast %broadcast_in_dim3A_88 : vector<128x1xf32> to vector<128x84xf32>
    %broadcast_in_dim3A_90 = vector.shape_cast %add3A_43 : vector<128x1xf32> to vector<128x1xf32>
    %broadcast_in_dim3A_91 = vector.broadcast %broadcast_in_dim3A_90 : vector<128x1xf32> to vector<128x84xf32>
    %select_n3A_92 = arith.select %eq3A_83, %broadcast_in_dim3A_89, %broadcast_in_dim3A_91 : vector<128x84xi1>, vector<128x84xf32>
    %slice3A_93 = vector.extract_strided_slice %slice3A_23 {offsets = [0, 2], sizes = [128, 82], strides = [1, 1]} : vector<128x84xf32> to vector<128x82xf32>
    %slice3A_94 = vector.extract_strided_slice %slice3A_23 {offsets = [0, 0], sizes = [128, 2], strides = [1, 1]} : vector<128x84xf32> to vector<128x2xf32>
    %concatenate3A = tpu.concatenate %slice3A_93, %slice3A_94 in 1 : vector<128x82xf32>, vector<128x2xf32> -> vector<128x84xf32>
    %slice3A_95 = vector.extract_strided_slice %slice3A_23 {offsets = [0, 82], sizes = [128, 2], strides = [1, 1]} : vector<128x84xf32> to vector<128x2xf32>
    %slice3A_96 = vector.extract_strided_slice %slice3A_23 {offsets = [0, 0], sizes = [128, 82], strides = [1, 1]} : vector<128x84xf32> to vector<128x82xf32>
    %concatenate3A_97 = tpu.concatenate %slice3A_95, %slice3A_96 in 1 : vector<128x2xf32>, vector<128x82xf32> -> vector<128x84xf32>
    %min3A = arith.constant 4.13516665 : f32
    %min3A_98 = vector.broadcast %min3A : f32 to vector<128x84xf32>
    %min3A_99 = arith.minimumf %concatenate3A, %min3A_98 : vector<128x84xf32>
    %exp3A = math.exp %min3A_99 : vector<128x84xf32>
    %mul3A_100 = arith.mulf %exp3A, %select_n3A_87 : vector<128x84xf32>
    %mul3A_101 = arith.constant 5.000000e-01 : f32
    %mul3A_102 = vector.broadcast %mul3A_101 : f32 to vector<128x84xf32>
    %mul3A_103 = arith.mulf %mul3A_100, %mul3A_102 : vector<128x84xf32>
    %min3A_104 = arith.constant 4.13516665 : f32
    %min3A_105 = vector.broadcast %min3A_104 : f32 to vector<128x84xf32>
    %min3A_106 = arith.minimumf %slice3A_23, %min3A_105 : vector<128x84xf32>
    %exp3A_107 = math.exp %min3A_106 : vector<128x84xf32>
    %mul3A_108 = arith.mulf %exp3A_107, %select_n3A_87 : vector<128x84xf32>
    %mul3A_109 = arith.constant 5.000000e-01 : f32
    %mul3A_110 = vector.broadcast %mul3A_109 : f32 to vector<128x84xf32>
    %mul3A_111 = arith.mulf %mul3A_108, %mul3A_110 : vector<128x84xf32>
    %mul3A_112 = arith.mulf %slice3A_23, %select_n3A_87 : vector<128x84xf32>
    %add3A_113 = arith.addf %mul3A_112, %select_n3A_92 : vector<128x84xf32>
    %sub3A_114 = arith.subf %add3A_113, %mul3A_103 : vector<128x84xf32>
    %mul3A_115 = arith.mulf %concatenate3A_97, %select_n3A_87 : vector<128x84xf32>
    %add3A_116 = arith.addf %mul3A_115, %select_n3A_92 : vector<128x84xf32>
    %add3A_117 = arith.addf %add3A_116, %mul3A_111 : vector<128x84xf32>
    %lt3A_118 = arith.constant 2 : i32
    %lt3A_119 = vector.broadcast %lt3A_118 : i32 to vector<128x84xi32>
    %lt3A_120 = arith.cmpi slt, %select_n3A_58, %lt3A_119 : vector<128x84xi32>
    %select_n3A_121 = arith.select %lt3A_120, %sub3A_114, %add3A_117 : vector<128x84xi1>, vector<128x84xf32>
    %get3A_122 = arith.constant 1 : index
    %get3A_123 = memref.load %arg7[%get3A_122] : memref<2xi32, #tpu.memory_space<smem>>
    %convert_element_type3A_124 = arith.sitofp %get3A_123 : i32 to f32
    %get3A_125 = arith.constant 0 : index
    %get3A_126 = memref.load %arg7[%get3A_125] : memref<2xi32, #tpu.memory_space<smem>>
    %convert_element_type3A_127 = arith.sitofp %get3A_126 : i32 to f32
    %broadcast_in_dim3A_128 = vector.broadcast %convert_element_type3A_124 : f32 to vector<128x84xf32>
    %broadcast_in_dim3A_129 = vector.broadcast %convert_element_type3A_127 : f32 to vector<128x84xf32>
    %select_n3A_130 = arith.select %eq3A_83, %broadcast_in_dim3A_128, %broadcast_in_dim3A_129 : vector<128x84xi1>, vector<128x84xf32>
    %jit3A_131 = arith.constant 0.000000e+00 : f32
    %max3A_132 = vector.broadcast %jit3A_131 : f32 to vector<128x84xf32>
    %max3A_133 = arith.maximumf %max3A_132, %select_n3A_121 : vector<128x84xf32>
    %min3A_134 = arith.minimumf %select_n3A_130, %max3A_133 : vector<128x84xf32>
    %concatenate3A_135 = tpu.concatenate %slice3A, %min3A_134 in 1 : vector<128x21xf32>, vector<128x84xf32> -> vector<128x105xf32>
    %swap3A = arith.constant 0 : index
    %swap3A_136 = arith.constant 0 : index
    %swap3A_137 = vector.load %arg8[%swap3A, %swap3A_136] : memref<128x105xf32, #tpu.memory_space<vmem>>, vector<128x105xf32>
    tpu.vector_store %arg8[%swap3A, %swap3A_136], %concatenate3A_135 {strides = array<i32>} : memref<128x105xf32, #tpu.memory_space<vmem>>, vector<128x105xf32>,
    return
  }
  func.func @transform_0(%arg0: i32) -> (i32, i32) {
    %c0_i32 = arith.constant 0 : i32
    %c0_i32_0 = arith.constant 0 : i32
    return %arg0, %c0_i32 : i32, i32
  }
  func.func @transform_1(%arg0: i32) -> (i32, i32) {
    %c0_i32 = arith.constant 0 : i32
    %c0_i32_0 = arith.constant 0 : i32
    %c0_i32_1 = arith.constant 0 : i32
    return %c0_i32, %c0_i32_0 : i32, i32
  }
  func.func @transform_2(%arg0: i32) -> (i32, i32) {
    %c0_i32 = arith.constant 0 : i32
    %c0_i32_0 = arith.constant 0 : i32
    %c0_i32_1 = arith.constant 0 : i32
    return %c0_i32, %c0_i32_0 : i32, i32
  }
  func.func @transform_3(%arg0: i32) -> (i32, i32) {
    %c0_i32 = arith.constant 0 : i32
    %c0_i32_0 = arith.constant 0 : i32
    %c0_i32_1 = arith.constant 0 : i32
    return %c0_i32, %c0_i32_0 : i32, i32
  }
  func.func @transform_4(%arg0: i32) -> (i32, i32) {
    %c0_i32 = arith.constant 0 : i32
    %c0_i32_0 = arith.constant 0 : i32
    %c0_i32_1 = arith.constant 0 : i32
    return %c0_i32, %c0_i32_0 : i32, i32
  }
  func.func @transform_5(%arg0: i32) -> (i32, i32) {
    %c0_i32 = arith.constant 0 : i32
    %c0_i32_0 = arith.constant 0 : i32
    return %arg0, %c0_i32 : i32, i32
  }
  func.func @transform_6(%arg0: i32) -> i32 {
    %c0_i32 = arith.constant 0 : i32
    %c0_i32_0 = arith.constant 0 : i32
    return %c0_i32 : i32
  }
  func.func @transform_7(%arg0: i32) -> (i32, i32) {
    %c0_i32 = arith.constant 0 : i32
    %c0_i32_0 = arith.constant 0 : i32
    return %arg0, %c0_i32 : i32, i32
  }
}

</mosaic_0001>

<sc_bundles>
// kernel: sparse-core-data-format-call.1.cloned.1.call-start
scs
called_computation.1_lowered:
.L_overlay_start_0:
0x0: {  	s1 =	sld [smem:$0x3FD9]  }
0x1: {  	s2 =	sld [smem:$0x3FFE];
	_ =	sdelay $0x1  }
0x2: {  	s3 =	srdreg.scid  }
0x3: {  	s0 =	sand.u32 $0x1, s3  }
0x4: {  	s17 =	sshll.u32 s0, $0xA;
	s1 =	sadd.s32 s2, s1  }
0x5: {  	s1 =	sadd.s32 s1, s17  }
0x6: {  	[smem:$0x3FBD] =	sst s1  }
0x7: {  	_ = 	snop  }
0x8: {  	(tm) =	ssettm $0x1  }
0x9: {  	s18 =	sld [smem:$0x3FFB];
	_ =	sdelay $0x3  }
0xa: {  	_ =	strace s18  }
0xb: {  	s1 =	sld [smem:$0x3FFC];
	_ =	sdelay $0x3  }
0xc: {  	_ =	strace s1  }
0xd: {  	s1 =	sld [smem:$0x3FFD];
	_ =	sdelay $0x3  }
0xe: {  	_ =	strace s1  }
0xf: {  	_ =	strace $0x8FFFFFFF  }
0x10: {  	s19 =	sld [smem:$0x3FDB];
	_ =	sdelay $0x1  }
0x11: {  	s20 =	simm.s32 $_scs_section_size  }
0x12: {  	s4 =	simm.s32 $_size__tile_overlayer_lowered;
	s5 =	simm.s32 $_tile_overlayer_lowered  }
0x13: {  	s23 =	simm.s32 $0x1BFF;
	s22 =	sshll.u32 s5, $0x1;
	s1 =	sadd.s32 s20, s19  }
0x14: {  	s6 =	simm.s32 $0x0;
	s21 =	sshll.u32 s4, $0x1;
	s4 =	sadd.s32 s22, s1  }
0x15: {  	[timem:s6], [sflag:s23] =	dma.local [hbm:s4], s21  }
0x16: {  	_ =	swait.ge [sflag:s23], s21  }
0x17: {  	s2 =	ssub.s32 $0x0, s21;
	[sflag:s23] =	ssyncset.done $0x0  }
0x18: {  	[sflag:s23] =	ssyncadd.s32 s2;
	_ =	sdelay $0x1  }
0x19: {  	s24 =	simm.s32 $0x1B8B  }
0x1a: {  	_ =	swait.ge [sflag:s24], $0x1  }
0x1b: {  	[sflag:s24] =	ssyncset.done $0x0  }
0x1c: {  	s26 =	simm.s32 $0x1B8E;
	s25 =	sld [smem:$0x3FFE];
	[sflag:s24] =	ssyncadd.s32 $0xFFFFFFFF  }
0x1d: {  	s27 =	simm.s32 $execute0_lowered;
	[smem:$0x3FD2] =	sst s26  }
0x1e: {  	s4 =	sshll.u32 s27, $0x1;
	_ =	strace $0x80000046;
	[dreg:$0x1] =	wrdreg $0xFFFFFFFF  }
0x1f: {  	s28 =	simm.s32 $_size_execute0_lowered;
	s1 =	sadd.s32 s1, s4;
	[dreg:$0x0] =	wrdreg $0x0  }
0x20: {  	s4 =	sshll.u32 s28, $0x1;
	[dreg:$0x2] =	wrdreg s1  }
0x21: {  	[dreg:$0x3] =	wrdreg s4  }
0x22: {  	[dreg:$0x4] =	wrdreg $0xC0  }
0x23: {  	_ =	task [dreg:s6], $0x5FFFF  }
0x24: {  	[dreg:$0x1] =	wrdreg $0xFFFFFFFF  }
0x25: {  	[dreg:$0x0] =	wrdreg $0x60  }
0x26: {  	[dreg:$0x2] =	wrdreg s25  }
0x27: {  	[dreg:$0x3] =	wrdreg $0x9  }
0x28: {  	_ =	task.clear_ibuf [dreg:s6], $0x4FFFF;
	_ =	strace $0x90000046  }
0x29: {  	s29 =	simm.s32 $0x9;
	_ =	strace $0x80000048  }
0x2a: {  	_ =	swait.ge [sflag:s29], $0x1  }
0x2b: {  	[sflag:s29] =	ssyncadd.s32 $0xFFFFFFFF  }
0x2c: {  	_ =	strace $0x90000048  }
0x2d: {  	_ =	sfence  }
0x2e: {  	s30 =	sld [smem:$0x0];
	_ =	sdelay $0x2  }
0x2f: {  	s31 =	sshll.u32 s3, $0xD;
	s3 =	sshrl.u32 s3, $0x2  }
0x30: {  	s2 =	sand.u32 $0x4000, s31;
	s1 =	sadd.s32 s3, s30  }
0x31: {  	s0 =	sor.u32 s2, s0;
	s1 =	sshll.u32 s1, $0x11  }
0x32: {  	s0 =	sor.u32 s1, s0  }
0x33: {  	s0 =	sadd.s32 $0x8F2B, s0  }
0x34: {  	[sflag:s0] =	ssyncadd.remote.s32 $0x1  }
0x35: {  	_ =	sfence.sel $0xFFFF  }
0x36: {  	[dreg:$0x0] =	wrdreg $0xFFFFFFFF;
	(pc) =	sbr.abs _section_cstart, $3  }
0x37: {  	[dreg:$0x1] =	wrdreg $0xFFFFFFFF  }
0x38: {  	_ =	task.clear_ibuf [dreg:s6], $0x2FFFF;
	_ =	strace $0x9FFFFFFF  }
0x39: {  	(tm) =	ssettm $0x7FFFFFFF  }
tec
execute0_lowered:
.L_overlay_start_1:
0x0: {  	(tag) =	ssettag $0x1  }
0x1: {  	s0 =	stileid.u32;
	s1 =	srdreg.scid  }
0x2: {  	s7 =	rddreg [dreg:$0x0];
	s31 =	simm.s32 $0x2;
	s14 =	simm.s32 $0x0  }
0x3: {  	s13 =	simm.s32 $0x0;
	s12 =	simm.s32 $0x0;
	s2 =	sshll.u32 s0, $0x7  }
0x4: {  	s3 =	sshll.u32 s0, $0x5;
	s1 =	sshll.u32 s1, $0x9;
	s2 =	sand.u32 $0x380, s2  }
0x5: {  	s3 =	sor.u32 s3, s1;
	s1 =	rddreg [dreg:$0x1];
	_ =	strace $0x80000047  }
0x6: {  	s3 =	sand.u32 $0x300, s3;
	s4 =	ssub.s32 $0x400, s2;
	s11 =	smov.u32 s2  }
0x7: {  	s5 =	sand.u32 $0x380, s4;
	s6 =	ssub.s32 $0x6200, s3;
	s9 =	sshrl.u32 s4, $0xA  }
0x8: {  	p0 =	sne.s32 s5, $0x0;
	s5 =	simm.s32 $0x1;
	s8 =	sand.u32 $0x300, s6  }
0x9: {  	s5 =	simm.s32 @!p0 $0x0;
	p0 =	sne.s32 s8, $0x0;
	s8 =	simm.s32 $0x1  }
.Ltmp0:
0xa: {  	s6 =	sshrl.u32 s6, $0xA;
	s8 =	simm.s32 @!p0 $0x0;
	(pc) =	sbr.rel .LBB1_1-.Ltmp0, $4  }
0xb: {  	s4 =	simm.s32 $0x1;
	s5 =	sadd.s32 s5, s9;
	s6 =	sadd.s32 s8, s6  }
0xc: {  	s10 =	smov.u32 s3;
	[sflag:s4] =	ssyncpa.u1 $0x0;
	s5 =	smul.u32 s5, s6  }
0xd: {  	[sflag:s31] =	ssyncpa.u1 $0x0;
	p0 =	por $0x0, $0x0;
	s9 =	simm.s32 $0x1000  }
0xe: {  	s6 =	sadd.s32 $0x2000, s7;
	s7 =	sadd.s32 $0x18A000, s7;
	s8 =	sadd.s32 $0x1, s5  }
.LBB1_4:
0xf: {  	[tilespmem:s17+$0x1 ss:$0x81] =	vst.msk $0xffff, v11;
	v7 =	vcombine.high v7, v9;
	v5 =	vperm.xlane.i2c.b16 v5;
	v49 =	vld [tilespmem:s18+$0x230]  }
0x10: {  	[tilespmem:s17+$0x810 ss:$0x81] =	vst.msk $0xffff, v12;
	v50 =	vcombine.low v8, v10;
	v3 =	vperm.xlane.i2c.b16 v3;
	v51 =	vld [tilespmem:s18+$0x240]  }
0x11: {  	v52 =	vcombine.high v8, v10;
	s16 =	sshll.u32 s14, $0xA;
	s19 =	sshll.u32 s13, $0x3;
	v53 =	vld [tilespmem:s18+$0x250];
	v0 =	vcombine.high v0, v1;
	[tilespmem:s17+$0x811 ss:$0x81] =	vst.msk $0xffff, v7  }
0x12: {  	v6 =	vperm.xlane.i2c.b16 v6;
	v2 =	vperm.xlane.i2c.b16 v2;
	s16 =	sand.u32 $0xFFFFE000, s16;
	s26 =	sand.u32 $0xFFFFFC00, s19;
	[tilespmem:s17+$0x1020 ss:$0x81] =	vst.msk $0xffff, v50  }
0x13: {  	v4 =	vperm.xlane.i2c.b16 v4;
	v54 =	vcombine.low v5, v3;
	s16 =	sadd.s32 s26, s16;
	[tilespmem:s15+$0x3061 ss:$0x81] =	vst.msk $0xffff, v0  }
0x14: {  	v3 =	vcombine.high v5, v3;
	v55 =	vcombine.low v6, v2;
	[tilespmem:s17+$0x1021 ss:$0x81] =	vst.msk $0xffff, v52;
	s16 =	sshrl.u32 s16, $0xA  }
0x15: {  	v57 =	vcombine.high v6, v2;
	[tilespmem:s17+$0x1830 ss:$0x81] =	vst.msk $0xffff, v54;
	s27 =	smulhi.u32 $0x539783, s16;
	v56 =	vperm.xlane.i2c.b16 v49  }
0x16: {  	[tilespmem:s17+$0x2040 ss:$0x81] =	vst.msk $0xffff, v55;
	v58 =	vperm.xlane.i2c.b16 v51;
	v60 =	vperm.xlane.i2c.b16 v53  }
0x17: {  	s28 =	sshll.u32 s14, $0x7;
	s29 =	sshll.u32 s13, $0x1;
	[tilespmem:s17+$0x1831 ss:$0x81] =	vst.msk $0xffff, v3;
	s18 =	sshrl.u32 s27, $0x5;
	v59 =	vcombine.low v4, v56  }
0x18: {  	s14 =	sand.u32 $0x300, s28;
	s15 =	sand.u32 $0xF0, s29;
	[tilespmem:s17+$0x2041 ss:$0x81] =	vst.msk $0xffff, v57;
	s18 =	smul.u32 $0x6200, s18;
	v62 =	vcombine.low v58, v60  }
0x19: {  	s14 =	sor.u32 s15, s14;
	v61 =	vcombine.high v4, v56;
	[tilespmem:s17+$0x2850 ss:$0x81] =	vst.msk $0xffff, v59  }
0x1a: {  	s31 =	sand.u32 $0x7, s13;
	s14 =	sshrl.u32 s14, $0x4;
	v63 =	vcombine.high v58, v60;
	s30 =	ssub.s32 s16, s18;
	[tilespmem:s17+$0x3060 ss:$0x81] =	vst.msk $0xffff, v62  }
0x1b: {  	s13 =	sshll.u32 s31, $0x12;
	s14 =	sadd.s32 s7, s14;
	[tilespmem:s17+$0x2851 ss:$0x81] =	vst.msk $0xffff, v61;
	s15 =	sshll.u32 s30, $0x6  }
0x1c: {  	s13 =	sor.u32 $0x200, s13;
	[tilespmem:s17+$0x3061 ss:$0x81] =	vst.msk $0xffff, v63;
	s14 =	sadd.s32 s15, s14  }
0x1d: {  	[hbm4b:s14+s13] =	stream.strided.scatter [tilespmem:s20], [sflag:$0x2], $0x4000, s9, s13, $0x20;
	[tilespmem:$0x10100] =	vst v63  }
.LBB1_5:
0x1e: {  	s15 =	sadd.s32 $0x400, s10  }
0x1f: {  	s13 =	sadd.s32 $0x400, s11;
	s17 =	smov.u32 s11;
	p2 =	sgt.s32 s15, $0x61FF  }
0x20: {  	s17 =	smov.u32 @p2 s13  }
0x21: {  	s15 =	smov.u32 @p2 s3;
	p2 =	sgt.s32 s17, $0x3FF  }
0x22: {  	s17 =	smov.u32 @p2 s2;
	p2 =	sne.s32 s12, s8  }
.Ltmp1:
0x23: {  	p1 =	slt.u32 s12, $0x2;
	(pc) =	sbr.rel @!p2 .LBB1_6-.Ltmp1, $4  }
0x24: {  	s16 =	simm.s32 @!p1 $0x2  }
0x25: {  	s14 =	smov.u32 s10;
	p0 =	por !p0, !p0;
	_ =	swait.ge @!p1 [sflag:s16], $0x4000  }
0x26: {  	s13 =	smov.u32 s11;
	[sflag:s16] =	ssyncset.done @!p1 $0x0;
	s10 =	smov.u32 s15  }
0x27: {  	s12 =	sadd.s32 $0x1, s12;
	[sflag:s16] =	ssyncadd.s32 @!p1 $0xFFFFC000;
	s11 =	smov.u32 s17  }
.LBB1_1:
0x28: {  	p1 =	sge.u32 s12, s5  }
0x29: {  	s15 =	sshrl.u32 @!p1 s11, $0x3  }
0x2a: {  	s16 =	sshll.u32 @!p1 s10, $0x3;
	s15 =	smul.u32 @!p1 $0x31000, s15  }
0x2b: {  	s16 =	sand.u32 @!p1 $0xFFFFFC00, s16  }
0x2c: {  	s17 =	sshll.u32 @!p1 s10, $0x1;
	s15 =	sadd.s32 @!p1 s15, s16;
	s16 =	sshll.u32 @!p1 s11, $0x7  }
0x2d: {  	s18 =	sand.u32 @!p1 $0x1, s11;
	s17 =	sand.u32 @!p1 $0xFE, s17;
	s16 =	sand.u32 @!p1 $0x300, s16  }
0x2e: {  	s15 =	sor.u32 @!p1 s16, s15;
	s16 =	sor.u32 @!p1 s18, s17  }
0x2f: {  	s16 =	sor.u32 @!p1 s15, s16  }
0x30: {  	s17 =	smulhi.u32 @!p1 $0x5397829D, s16;
	_ =	sdelay $0x1  }
0x31: {  	s15 =	smulhi.u32 @!p1 $0x5397829D, s15;
	s17 =	sshrl.u32 @!p1 s17, $0xD  }
0x32: {  	s17 =	smul.u32 @!p1 $0x6200, s17  }
0x33: {  	s15 =	sshrl.u32 @!p1 s15, $0xD  }
0x34: {  	s15 =	sand.u32 @!p1 $0x3FF, s15;
	s16 =	ssub.s32 @!p1 s16, s17  }
0x35: {  	s31 =	sadd.s32 $0xFFFFFFFF, s12;
	s15 =	smul.u32 @!p1 $0x620, s15;
	s17 =	sshrl.u32 @!p1 s16, $0x4  }
0x36: {  	s18 =	sxor.u32 @!p1 $0xFFFFFFFF, s12;
	s16 =	sshll.u32 @!p1 s16, $0x11;
	s17 =	sadd.s32 @!p1 s6, s17  }
0x37: {  	s16 =	sand.u32 @!p1 $0x1C0000, s16;
	s15 =	sadd.s32 @!p1 s15, s17;
	s17 =	sshll.u32 @!p1 s18, $0xE  }
0x38: {  	s16 =	sor.u32 @!p1 $0x400, s16;
	s18 =	simm.s32 @!p1 $0x18800;
	s17 =	sand.u32 @!p1 $0x4000, s17  }
0x39: {  	[tilespmem:s17], [sflag:$0x1] =	stream.strided.gather @!p1 [hbm4b:s15+s16], $0x4000, s18, s16, $0x38;
	[tilespmem:$0x10100] =	vst v63  }
0x3a: {  	p1 =	sge.u32 s31, s5  }
.Ltmp2:
0x3b: {  	_ = 	snop;
	(pc) =	sbr.rel @p1 .LBB1_5-.Ltmp2, $1  }
0x3c: {  	_ =	sdelay $0x3  }
0x3d: {  	s17 =	sand.u32 $0x1, s12;
	s15 =	simm.s32 $0x0  }
0x3e: {  	_ =	swait.ge [sflag:s4], $0x4000;
	s16 =	sshll.u32 s17, $0xE;
	s18 =	sand.u32 $0x3C00, s15  }
0x3f: {  	[sflag:s4] =	ssyncset.done $0x0;
	s15 =	sand.u32 $0x180, s15;
	s18 =	sadd.s32 s18, s16  }
0x40: {  	[sflag:s4] =	ssyncadd.s32 $0xFFFFC000;
	s20 =	sadd.s32 s15, s18  }
0x41: {  	v0 =	vld [tilespmem:s20+$0x260]  }
0x42: {  	v1 =	vld [tilespmem:s20+$0x270]  }
0x43: {  	v2 =	vld [tilespmem:s20+$0x0]  }
0x44: {  	v3 =	vld [tilespmem:s20+$0x10]  }
0x45: {  	v4 =	vld [tilespmem:s20+$0x20]  }
0x46: {  	s15 =	simm.s32 $0x1;
	v5 =	vld [tilespmem:s20+$0x30]  }
0x47: {  	s15 =	simm.s32 @!p0 $0x0;
	v6 =	vld [tilespmem:s20+$0x40]  }
0x48: {  	v7 =	vld [tilespmem:s20+$0x50];
	s15 =	smul.u32 $0x10200, s15;
	v1 =	vperm.xlane.i2c.b16 v1;
	v0 =	vperm.xlane.i2c.b16 v0  }
0x49: {  	v8 =	vld [tilespmem:s20+$0x60];
	v2 =	vperm.xlane.i2c.b16 v2;
	v3 =	vperm.xlane.i2c.b16 v3  }
0x4a: {  	v10 =	vld [tilespmem:s20+$0x70];
	s15 =	sshrl.u32 s15, $0x2;
	v9 =	vcombine.low v0, v1;
	v0 =	vcombine.high v0, v1  }
0x4b: {  	s15 =	sor.u32 $0x8000, s15;
	v1 =	vperm.xlane.i2c.b16 v5;
	v5 =	vld [tilespmem:s20+$0x200];
	v11 =	vcombine.low v2, v3  }
0x4c: {  	v4 =	vperm.xlane.i2c.b16 v4;
	v2 =	vcombine.high v2, v3;
	v3 =	vld [tilespmem:s20+$0x210];
	[tilespmem:s15+$0x3870 ss:$0x81] =	vst.msk $0xffff, v9  }
0x4d: {  	s30 =	simm.s32 $0x100;
	v6 =	vperm.xlane.i2c.b16 v6;
	v7 =	vperm.xlane.i2c.b16 v7;
	v9 =	vld [tilespmem:s20+$0x220];
	[tilespmem:s15+$0x0 ss:$0x81] =	vst.msk $0xffff, v11  }
0x4e: {  	s19 =	simm.s32 $0x80;
	s18 =	sand.u32 $0x3C00, s30;
	[tilespmem:s15+$0x3871 ss:$0x81] =	vst.msk $0xffff, v0;
	v0 =	vcombine.low v4, v1;
	v1 =	vcombine.high v4, v1;
	v4 =	vld [tilespmem:s20+$0x230]  }
0x4f: {  	s21 =	sand.u32 $0x180, s19;
	s18 =	sadd.s32 s18, s16;
	[tilespmem:s15+$0x1 ss:$0x81] =	vst.msk $0xffff, v2;
	v2 =	vperm.xlane.i2c.b16 v8;
	v8 =	vperm.xlane.i2c.b16 v10;
	v10 =	vld [tilespmem:s20+$0x240]  }
0x50: {  	s18 =	sadd.s32 s21, s18;
	[tilespmem:s15+$0x810 ss:$0x81] =	vst.msk $0xffff, v0;
	v0 =	vcombine.low v6, v7;
	v6 =	vcombine.high v6, v7;
	v7 =	vld [tilespmem:s20+$0x250]  }
0x51: {  	v11 =	vcombine.low v2, v8;
	[tilespmem:s15+$0x811 ss:$0x81] =	vst.msk $0xffff, v1;
	v1 =	vperm.xlane.i2c.b16 v5;
	v5 =	vld [tilespmem:s18+$0x260]  }
0x52: {  	v2 =	vcombine.high v2, v8;
	[tilespmem:s15+$0x1020 ss:$0x81] =	vst.msk $0xffff, v0;
	v0 =	vperm.xlane.i2c.b16 v3;
	v3 =	vld [tilespmem:s18+$0x270]  }
0x53: {  	v8 =	vld [tilespmem:s18+$0x0];
	[tilespmem:s15+$0x1021 ss:$0x81] =	vst.msk $0xffff, v6;
	v6 =	vperm.xlane.i2c.b16 v9;
	v4 =	vperm.xlane.i2c.b16 v4  }
0x54: {  	[tilespmem:s15+$0x1830 ss:$0x81] =	vst.msk $0xffff, v11;
	v11 =	vld [tilespmem:s18+$0x10];
	v9 =	vcombine.low v1, v0;
	v12 =	vcombine.high v1, v0  }
0x55: {  	[tilespmem:s15+$0x1831 ss:$0x81] =	vst.msk $0xffff, v2;
	v2 =	vld [tilespmem:s18+$0x20];
	v0 =	vperm.xlane.i2c.b16 v10;
	v10 =	vcombine.low v6, v4  }
0x56: {  	v1 =	vperm.xlane.i2c.b16 v7;
	v4 =	vcombine.high v6, v4;
	[tilespmem:s15+$0x2040 ss:$0x81] =	vst.msk $0xffff, v9;
	v9 =	vld [tilespmem:s18+$0x30]  }
0x57: {  	v13 =	vperm.xlane.i2c.b16 v5;
	[tilespmem:s15+$0x2041 ss:$0x81] =	vst.msk $0xffff, v12;
	v12 =	vld [tilespmem:s18+$0x40];
	v6 =	vperm.xlane.i2c.b16 v3  }
0x58: {  	v8 =	vperm.xlane.i2c.b16 v8;
	[tilespmem:s15+$0x2850 ss:$0x81] =	vst.msk $0xffff, v10;
	v10 =	vld [tilespmem:s18+$0x50];
	v14 =	vcombine.low v0, v1  }
0x59: {  	v5 =	vld [tilespmem:s18+$0x60];
	[tilespmem:s15+$0x2851 ss:$0x81] =	vst.msk $0xffff, v4;
	v4 =	vperm.xlane.i2c.b16 v11;
	v11 =	vcombine.low v13, v6  }
0x5a: {  	s31 =	smul.u32 $0x10200, s17;
	s17 =	sadd.s32 $0x2, s15;
	v3 =	vld [tilespmem:s18+$0x70];
	v7 =	vperm.xlane.i2c.b16 v2;
	v13 =	vcombine.high v13, v6;
	[tilespmem:s15+$0x3060 ss:$0x81] =	vst.msk $0xffff, v14  }
0x5b: {  	v6 =	vld [tilespmem:s18+$0x200];
	v14 =	vcombine.low v8, v4;
	v9 =	vperm.xlane.i2c.b16 v9;
	[tilespmem:s17+$0x3870 ss:$0x81] =	vst.msk $0xffff, v11  }
0x5c: {  	s20 =	sshrl.u32 s31, $0x2;
	v2 =	vld [tilespmem:s18+$0x210];
	v11 =	vcombine.high v8, v4;
	v8 =	vperm.xlane.i2c.b16 v12;
	[tilespmem:s17+$0x3871 ss:$0x81] =	vst.msk $0xffff, v13  }
0x5d: {  	s22 =	simm.s32 $0x200;
	s21 =	simm.s32 $0x2;
	s20 =	sor.u32 $0x8000, s20;
	v4 =	vld [tilespmem:s18+$0x220];
	[tilespmem:s17+$0x0 ss:$0x81] =	vst.msk $0xffff, v14;
	v10 =	vperm.xlane.i2c.b16 v10;
	v12 =	vcombine.low v7, v9  }
.LBB1_3:
0x5e: {  	s23 =	sand.u32 $0x3C00, s22;
	[tilespmem:s17+$0x1 ss:$0x81] =	vst.msk $0xffff, v11;
	v7 =	vcombine.high v7, v9;
	v5 =	vperm.xlane.i2c.b16 v5;
	v9 =	vld [tilespmem:s18+$0x230];
	s19 =	sadd.s32 $0x80, s19  }
0x5f: {  	v11 =	vcombine.low v8, v10;
	v3 =	vperm.xlane.i2c.b16 v3;
	s24 =	sand.u32 $0x180, s19;
	s23 =	sadd.s32 s23, s16;
	[tilespmem:s17+$0x810 ss:$0x81] =	vst.msk $0xffff, v12;
	v12 =	vld [tilespmem:s18+$0x240]  }
0x60: {  	s21 =	sadd.s32 $0x2, s21;
	v6 =	vperm.xlane.i2c.b16 v6;
	[tilespmem:s17+$0x811 ss:$0x81] =	vst.msk $0xffff, v7;
	v7 =	vcombine.high v8, v10;
	v8 =	vld [tilespmem:s18+$0x250];
	s18 =	sadd.s32 s24, s23  }
0x61: {  	v2 =	vperm.xlane.i2c.b16 v2;
	p1 =	slt.u32 s21, $0x7E;
	v10 =	vld [tilespmem:s18+$0x260];
	[tilespmem:s17+$0x1020 ss:$0x81] =	vst.msk $0xffff, v11;
	v11 =	vcombine.low v5, v3  }
0x62: {  	v4 =	vperm.xlane.i2c.b16 v4;
	v3 =	vcombine.high v5, v3;
	v13 =	vld [tilespmem:s18+$0x270];
	[tilespmem:s17+$0x1021 ss:$0x81] =	vst.msk $0xffff, v7  }
0x63: {  	v7 =	vcombine.low v6, v2;
	v5 =	vld [tilespmem:s18+$0x0];
	[tilespmem:s17+$0x1830 ss:$0x81] =	vst.msk $0xffff, v11;
	v9 =	vperm.xlane.i2c.b16 v9  }
0x64: {  	v2 =	vcombine.high v6, v2;
	v11 =	vld [tilespmem:s18+$0x10];
	[tilespmem:s17+$0x1831 ss:$0x81] =	vst.msk $0xffff, v3;
	v3 =	vperm.xlane.i2c.b16 v12  }
0x65: {  	v6 =	vld [tilespmem:s18+$0x20];
	[tilespmem:s17+$0x2040 ss:$0x81] =	vst.msk $0xffff, v7;
	v7 =	vcombine.low v4, v9;
	v8 =	vperm.xlane.i2c.b16 v8  }
0x66: {  	v12 =	vld [tilespmem:s18+$0x30];
	[tilespmem:s17+$0x2041 ss:$0x81] =	vst.msk $0xffff, v2;
	v2 =	vcombine.high v4, v9;
	v4 =	vcombine.high v0, v1;
	v0 =	vmov v3  }
0x67: {  	v10 =	vperm.xlane.i2c.b16 v10;
	v14 =	vld [tilespmem:s18+$0x40];
	v9 =	vperm.xlane.i2c.b16 v13;
	[tilespmem:s17+$0x2850 ss:$0x81] =	vst.msk $0xffff, v7;
	v1 =	vmov v8  }
0x68: {  	v8 =	vperm.xlane.i2c.b16 v5;
	v13 =	vld [tilespmem:s18+$0x50];
	[tilespmem:s17+$0x2851 ss:$0x81] =	vst.msk $0xffff, v2;
	v2 =	vcombine.low v0, v1  }
.Ltmp3:
0x69: {  	v11 =	vperm.xlane.i2c.b16 v11;
	v5 =	vld [tilespmem:s18+$0x60];
	v15 =	vcombine.low v10, v9;
	[tilespmem:s15+$0x3061 ss:$0x81] =	vst.msk $0xffff, v4;
	s15 =	smov.u32 s17;
	(pc) =	sbr.rel @p1 .LBB1_3-.Ltmp3, $4  }
0x6a: {  	v4 =	vcombine.high v10, v9;
	s17 =	sadd.s32 $0x2, s17;
	v7 =	vperm.xlane.i2c.b16 v6;
	v3 =	vld [tilespmem:s18+$0x70];
	[tilespmem:s15+$0x3060 ss:$0x81] =	vst.msk $0xffff, v2  }
0x6b: {  	v10 =	vcombine.low v8, v11;
	v9 =	vperm.xlane.i2c.b16 v12;
	v6 =	vld [tilespmem:s18+$0x200];
	[tilespmem:s17+$0x3870 ss:$0x81] =	vst.msk $0xffff, v15  }
0x6c: {  	v11 =	vcombine.high v8, v11;
	v8 =	vperm.xlane.i2c.b16 v14;
	v2 =	vld [tilespmem:s18+$0x210];
	[tilespmem:s17+$0x3871 ss:$0x81] =	vst.msk $0xffff, v4  }
0x6d: {  	s22 =	sadd.s32 $0x100, s22;
	[tilespmem:s17+$0x0 ss:$0x81] =	vst.msk $0xffff, v10;
	v12 =	vcombine.low v7, v9;
	v10 =	vperm.xlane.i2c.b16 v13;
	v4 =	vld [tilespmem:s18+$0x220]  }
.Ltmp4:
0x6e: {  	_ = 	snop;
	(pc) =	sbr.rel .LBB1_4-.Ltmp4, $1  }
0x6f: {  	_ =	sdelay $0x3  }
.LBB1_6:
0x70: {  	_ =	sfence.sel $0x180000  }
0x71: {  	s2 =	simm.s32 $0x1;
	[bflag:$0x0] =	sbarrier.arrive $0xFFFF  }
0x72: {  	s31 =	simm.s32 $0x2;
	[sflag:s2] =	ssyncpa.u1 $0x1  }
0x73: {  	[sflag:s31] =	ssyncpa.u1 $0x1  }
0x74: {  	p0 =	sne.s32 s0, $0x0;
	_ =	strace $0x90000047  }
0x75: {  	s0 =	sadd.s32 @!p0 $0x100000, s1;
	[bflag:$0x2] =	sbarrier.arrive $0xFFFF  }
0x76: {  	[sflag:s0] =	ssyncadd.tile.s32 @!p0 $0x1;
	_ =	shalt  }
.Lfunc_end1:
_tile_overlayer_lowered:
.L_overlay_start_2:
0x77: {  	(tag) =	ssettag $0x2  }
0x78: {  	s0 =	rddreg [dreg:$0x0];
	s2 =	stileid.u32  }
0x79: {  	s1 =	rddreg [dreg:$0x1];
	p0 =	sne.s32 s2, $0x0  }
0x7a: {  	s3 =	rddreg [dreg:$0x2];
	[bflag:$0x3] =	sbarrier.arrive $0xFFFF;
	s2 =	simm.s32 @!p0 $0x1C01  }
0x7b: {  	[timem:s3], [sflag:s2] =	dma.local @!p0 [hbm:s0], s1  }
0x7c: {  	s0 =	simm.s32 @!p0 $0x1  }
0x7d: {  	_ =	swait.ge @!p0 [sflag:s0], s1  }
0x7e: {  	s1 =	ssub.s32 @!p0 $0x0, s1;
	[sflag:s0] =	ssyncset.done @!p0 $0x0  }
0x7f: {  	[sflag:s0] =	ssyncadd.s32 @!p0 s1  }
0x80: {  	[bflag:$0x3] =	sbarrier.arrive $0xFFFF  }
0x81: {  	_ =	shalt  }

// kernel: sparse-core-data-format-call.cloned.1.call-start
scs
called_computation_lowered:
.L_overlay_start_0:
0x0: {  	s1 =	sld [smem:$0x3FD9]  }
0x1: {  	s2 =	sld [smem:$0x3FFE];
	_ =	sdelay $0x1  }
0x2: {  	s3 =	srdreg.scid  }
0x3: {  	s0 =	sand.u32 $0x1, s3  }
0x4: {  	s17 =	sshll.u32 s0, $0xA;
	s1 =	sadd.s32 s2, s1  }
0x5: {  	s1 =	sadd.s32 s1, s17  }
0x6: {  	[smem:$0x3FBD] =	sst s1  }
0x7: {  	_ = 	snop  }
0x8: {  	(tm) =	ssettm $0x1  }
0x9: {  	s18 =	sld [smem:$0x3FFB];
	_ =	sdelay $0x3  }
0xa: {  	_ =	strace s18  }
0xb: {  	s1 =	sld [smem:$0x3FFC];
	_ =	sdelay $0x3  }
0xc: {  	_ =	strace s1  }
0xd: {  	s1 =	sld [smem:$0x3FFD];
	_ =	sdelay $0x3  }
0xe: {  	_ =	strace s1  }
0xf: {  	_ =	strace $0x8FFFFFFF  }
0x10: {  	s19 =	sld [smem:$0x3FDB];
	_ =	sdelay $0x1  }
0x11: {  	s20 =	simm.s32 $_scs_section_size  }
0x12: {  	s4 =	simm.s32 $_size__tile_overlayer_lowered;
	s5 =	simm.s32 $_tile_overlayer_lowered  }
0x13: {  	s23 =	simm.s32 $0x1BFF;
	s22 =	sshll.u32 s5, $0x1;
	s1 =	sadd.s32 s20, s19  }
0x14: {  	s6 =	simm.s32 $0x0;
	s21 =	sshll.u32 s4, $0x1;
	s4 =	sadd.s32 s22, s1  }
0x15: {  	[timem:s6], [sflag:s23] =	dma.local [hbm:s4], s21  }
0x16: {  	_ =	swait.ge [sflag:s23], s21  }
0x17: {  	s2 =	ssub.s32 $0x0, s21;
	[sflag:s23] =	ssyncset.done $0x0  }
0x18: {  	[sflag:s23] =	ssyncadd.s32 s2;
	_ =	sdelay $0x1  }
0x19: {  	s24 =	simm.s32 $0x1B8B  }
0x1a: {  	_ =	swait.ge [sflag:s24], $0x1  }
0x1b: {  	[sflag:s24] =	ssyncset.done $0x0  }
0x1c: {  	s26 =	simm.s32 $0x1B8E;
	s25 =	sld [smem:$0x3FFE];
	[sflag:s24] =	ssyncadd.s32 $0xFFFFFFFF  }
0x1d: {  	s27 =	simm.s32 $execute0_lowered;
	[smem:$0x3FD2] =	sst s26  }
0x1e: {  	s4 =	sshll.u32 s27, $0x1;
	_ =	strace $0x80000049;
	[dreg:$0x1] =	wrdreg $0xFFFFFFFF  }
0x1f: {  	s28 =	simm.s32 $_size_execute0_lowered;
	s1 =	sadd.s32 s1, s4;
	[dreg:$0x0] =	wrdreg $0x0  }
0x20: {  	s4 =	sshll.u32 s28, $0x1;
	[dreg:$0x2] =	wrdreg s1  }
0x21: {  	[dreg:$0x3] =	wrdreg s4  }
0x22: {  	[dreg:$0x4] =	wrdreg $0xC0  }
0x23: {  	_ =	task [dreg:s6], $0x5FFFF  }
0x24: {  	[dreg:$0x1] =	wrdreg $0xFFFFFFFF  }
0x25: {  	[dreg:$0x0] =	wrdreg $0x60  }
0x26: {  	[dreg:$0x2] =	wrdreg s25  }
0x27: {  	[dreg:$0x3] =	wrdreg $0x9  }
0x28: {  	_ =	task.clear_ibuf [dreg:s6], $0x4FFFF;
	_ =	strace $0x90000049  }
0x29: {  	s29 =	simm.s32 $0x9;
	_ =	strace $0x8000004B  }
0x2a: {  	_ =	swait.ge [sflag:s29], $0x1  }
0x2b: {  	[sflag:s29] =	ssyncadd.s32 $0xFFFFFFFF  }
0x2c: {  	_ =	strace $0x9000004B  }
0x2d: {  	_ =	sfence  }
0x2e: {  	s30 =	sld [smem:$0x0];
	_ =	sdelay $0x2  }
0x2f: {  	s31 =	sshll.u32 s3, $0xD;
	s3 =	sshrl.u32 s3, $0x2  }
0x30: {  	s2 =	sand.u32 $0x4000, s31;
	s1 =	sadd.s32 s3, s30  }
0x31: {  	s0 =	sor.u32 s2, s0;
	s1 =	sshll.u32 s1, $0x11  }
0x32: {  	s0 =	sor.u32 s1, s0  }
0x33: {  	s0 =	sadd.s32 $0x8F2B, s0  }
0x34: {  	[sflag:s0] =	ssyncadd.remote.s32 $0x1  }
0x35: {  	_ =	sfence.sel $0xFFFF  }
0x36: {  	[dreg:$0x0] =	wrdreg $0xFFFFFFFF;
	(pc) =	sbr.abs _section_cstart, $3  }
0x37: {  	[dreg:$0x1] =	wrdreg $0xFFFFFFFF  }
0x38: {  	_ =	task.clear_ibuf [dreg:s6], $0x2FFFF;
	_ =	strace $0x9FFFFFFF  }
0x39: {  	(tm) =	ssettm $0x7FFFFFFF  }
tec
execute0_lowered:
.L_overlay_start_1:
0x0: {  	(tag) =	ssettag $0x1  }
0x1: {  	s0 =	srdreg.scid;
	s1 =	stileid.u32  }
0x2: {  	s6 =	rddreg [dreg:$0x0];
	_ =	strace $0x8000004A;
	s0 =	sshll.u32 s0, $0x4  }
0x3: {  	s3 =	simm.s32 $0x1;
	s31 =	simm.s32 $0x2;
	s0 =	sand.u32 $0x10, s0  }
0x4: {  	s19 =	simm.s32 $0x0;
	s9 =	simm.s32 $0x0;
	s0 =	sor.u32 s1, s0  }
0x5: {  	s22 =	simm.s32 $0x0;
	s21 =	simm.s32 $0x0;
	s2 =	sshll.u32 s0, $0x3  }
0x6: {  	s20 =	simm.s32 $0x0;
	s10 =	simm.s32 $0x0;
	s0 =	ssub.s32 $0x200, s2  }
0x7: {  	s11 =	simm.s32 $0x0;
	s12 =	simm.s32 $0x0;
	s30 =	sand.u32 $0xF8, s0  }
0x8: {  	s13 =	simm.s32 $0x0;
	s1 =	simm.s32 $0x1;
	p0 =	sne.s32 s30, $0x0  }
.Ltmp0:
0x9: {  	s0 =	sshrl.u32 s0, $0x8;
	s1 =	simm.s32 @!p0 $0x0;
	(pc) =	sbr.rel .LBB1_1-.Ltmp0, $4  }
0xa: {  	s14 =	simm.s32 $0x0;
	s15 =	simm.s32 $0x0;
	s0 =	sadd.s32 s1, s0  }
0xb: {  	s16 =	simm.s32 $0x0;
	s18 =	simm.s32 $0x0;
	s4 =	smul.u32 $0xE, s0  }
0xc: {  	[sflag:s3] =	ssyncpa.u1 $0x0;
	s5 =	sadd.s32 $0x312000, s6;
	s6 =	sadd.s32 $0x2000, s6  }
0xd: {  	[sflag:s31] =	ssyncpa.u1 $0x0;
	s17 =	smov.u32 s2;
	s7 =	sor.u32 $0x1, s4  }
.LBB1_9:
0xe: {  	p0 =	slt.u32 s18, $0x2;
	s23 =	sadd.s32 $0x200, s14;
	s24 =	smov.u32 s15  }
0xf: {  	s25 =	smov.u32 s17;
	s9 =	sadd.s32 $0x8000, s9;
	s0 =	sshra.s32 @!p0 s22, $0x1F  }
0x10: {  	p1 =	sgt.s32 @!p0 s21, $0x6;
	s8 =	sshra.s32 @!p0 s21, $0x1F;
	p2 =	sgt.s32 @!p0 s20, $0x1F8  }
0x11: {  	s1 =	sor.u32 @!p0 s0, s22;
	s0 =	sand.u32 @!p0 s0, s22;
	p1 =	por !p1, p0  }
0x12: {  	s8 =	sand.u32 @!p0 s8, s21;
	s0 =	ssub.s32 @!p0 s1, s0;
	s1 =	smov.u32 s21  }
0x13: {  	p2 =	por !p2, p0;
	s21 =	smov.u32 s20;
	s1 =	simm.s32 @p1 $0x6  }
0x14: {  	s22 =	sadd.s32 @!p0 $0x1, s0;
	s21 =	simm.s32 @p2 $0x1F8;
	s1 =	ssub.s32 @!p0 s1, s8  }
0x15: {  	p1 =	sgt.s32 @!p0 s22, $0x7;
	s22 =	sshra.s32 @!p0 s20, $0x1F;
	s8 =	sadd.s32 @!p0 $0xFFFFFFFA, s1  }
0x16: {  	s1 =	ssub.s32 @!p0 $0x7, s1;
	p3 =	sgt.s32 @!p0 s8, $0x0;
	s8 =	sand.u32 @!p0 s22, s20  }
0x17: {  	p2 =	por !p3, p0;
	s8 =	ssub.s32 @!p0 s21, s8;
	s21 =	sshra.s32 @!p0 s19, $0x1F  }
0x18: {  	s1 =	simm.s32 @!p2 $0x0;
	s20 =	sadd.s32 @!p0 $0xFFFFFE08, s8;
	p2 =	sgt.s32 @!p0 s19, $0x200  }
0x19: {  	p3 =	sgt.s32 @!p0 s20, $0x7;
	p2 =	por !p2, p0;
	s20 =	smov.u32 s19  }
0x1a: {  	s8 =	ssub.s32 @!p0 $0x200, s8;
	s20 =	simm.s32 @p2 $0x200;
	p2 =	por !p3, p0  }
0x1b: {  	s0 =	ssub.s32 @!p0 $0x7, s0;
	s19 =	sand.u32 @!p0 s21, s19;
	s8 =	simm.s32 @!p2 $0x0  }
0x1c: {  	p1 =	por !p1, p0;
	s19 =	ssub.s32 @!p0 s20, s19;
	s1 =	smul.u32 @!p0 s8, s1  }
0x1d: {  	s0 =	simm.s32 @!p1 $0x0;
	p2 =	sgt.s32 s23, $0x3FF;
	s20 =	sadd.s32 @!p0 $0xFFFFFE00, s19  }
0x1e: {  	p1 =	sgt.s32 @!p0 s20, $0x1FF;
	s0 =	smul.u32 @!p0 s0, s1;
	s1 =	sadd.s32 $0x8, s15  }
0x1f: {  	s8 =	ssub.s32 @!p0 $0x400, s19;
	p1 =	por !p1, p0;
	s24 =	smov.u32 @p2 s1  }
0x20: {  	s8 =	simm.s32 @!p1 $0x0;
	s1 =	simm.s32 $0x1;
	p1 =	sgt.s32 s24, $0x6  }
0x21: {  	s22 =	smov.u32 s11;
	s11 =	smov.u32 s15;
	s1 =	simm.s32 @!p1 $0x0  }
0x22: {  	s21 =	smov.u32 s12;
	s23 =	simm.s32 @p2 $0x0;
	s1 =	sadd.s32 s1, s16  }
0x23: {  	s0 =	smul.u32 @!p0 s8, s0;
	s8 =	sadd.s32 $0x100, s17;
	p2 =	sgt.s32 s1, $0x6  }
0x24: {  	s12 =	smov.u32 s16;
	s19 =	smov.u32 s10;
	s25 =	smov.u32 @p2 s8  }
0x25: {  	s10 =	smov.u32 s14;
	s24 =	simm.s32 @p1 $0x0;
	p1 =	sgt.s32 s25, $0x1FF  }
0x26: {  	s20 =	smov.u32 s13;
	s25 =	smov.u32 @p1 s2;
	p1 =	sne.s32 s18, s7  }
.Ltmp1:
0x27: {  	s13 =	smov.u32 s17;
	s0 =	sshrl.u32 @!p0 s0, $0x1;
	(pc) =	sbr.rel @!p1 .LBB1_10-.Ltmp1, $4  }
0x28: {  	s14 =	smov.u32 s23;
	s0 =	sand.u32 @!p0 $0x3FFFFFFF, s0;
	s8 =	simm.s32 @!p0 $0x2  }
0x29: {  	s15 =	smov.u32 s24;
	s1 =	simm.s32 @p2 $0x0;
	_ =	swait.ge @!p0 [sflag:s8], s0  }
0x2a: {  	s0 =	ssub.s32 @!p0 $0x0, s0;
	s16 =	smov.u32 s1;
	[sflag:s8] =	ssyncset.done @!p0 $0x0  }
0x2b: {  	s18 =	sadd.s32 $0x1, s18;
	[sflag:s8] =	ssyncadd.s32 @!p0 s0;
	s17 =	smov.u32 s25  }
.LBB1_1:
0x2c: {  	p0 =	sge.u32 s18, s4;
	s31 =	sadd.s32 $0xFFFFFFFF, s18  }
0x2d: {  	s0 =	sshll.u32 @!p0 s15, $0x7;
	s1 =	sshll.u32 @!p0 s14, $0x1;
	s8 =	smul.u32 @!p0 $0xE00, s17  }
0x2e: {  	s23 =	sshrl.u32 @!p0 s14, $0x1;
	s0 =	sand.u32 @!p0 $0x300, s0;
	s1 =	sand.u32 @!p0 $0xF0, s1  }
0x2f: {  	s0 =	sor.u32 @!p0 s0, s1;
	s1 =	sshll.u32 @!p0 s16, $0x9;
	s8 =	sadd.s32 @!p0 s5, s8  }
0x30: {  	s24 =	sxor.u32 @!p0 $0xFFFFFFFF, s18;
	s23 =	sand.u32 @!p0 $0x1C0, s23;
	s1 =	sadd.s32 @!p0 s1, s8  }
0x31: {  	s0 =	sshrl.u32 @!p0 s0, $0x4;
	s8 =	sand.u32 @!p0 $0x7, s14;
	s1 =	sadd.s32 @!p0 s23, s1  }
0x32: {  	s8 =	sshll.u32 @!p0 s8, $0x12;
	s0 =	sadd.s32 @!p0 s0, s1;
	s1 =	sshll.u32 @!p0 s24, $0xE  }
0x33: {  	s23 =	simm.s32 @!p0 $0x7000;
	s8 =	sor.u32 @!p0 $0x800, s8;
	s1 =	sand.u32 @!p0 $0x4000, s1  }
0x34: {  	[tilespmem:s1], [sflag:$0x1] =	stream.strided.gather @!p0 [hbm4b:s0+s8], $0x4000, s23, s8, $0x38;
	[tilespmem:$0x10000] =	vst v63  }
0x35: {  	p0 =	sge.u32 s31, s4  }
.Ltmp2:
0x36: {  	_ = 	snop;
	(pc) =	sbr.rel @p0 .LBB1_9-.Ltmp2, $1  }
0x37: {  	_ =	sdelay $0x3  }
0x38: {  	s0 =	sshll.u32 s9, $0x1;
	_ =	swait.ge [sflag:s3], $0x4000  }
0x39: {  	s1 =	sshll.u32 s18, $0xE;
	s27 =	simm.s32 $0x0;
	p0 =	por $0x0, $0x0  }
0x3a: {  	s26 =	simm.s32 $0x0;
	s0 =	sand.u32 $0x10000, s0;
	[sflag:s3] =	ssyncset.done $0x0  }
0x3b: {  	s1 =	sand.u32 $0x4000, s1;
	s24 =	sshrl.u32 s0, $0x2;
	s0 =	sshrl.u32 s0, $0x2  }
0x3c: {  	[sflag:s3] =	ssyncadd.s32 $0xFFFFC000;
	s23 =	sor.u32 $0x8000, s1;
	s25 =	sadd.s32 $0x8870, s0  }
.LBB1_3:
0x3d: {  	s0 =	simm.s32 $0x1  }
0x3e: {  	s1 =	sshll.u32 s26, $0x1;
	s0 =	simm.s32 @!p0 $0x0  }
0x3f: {  	s1 =	sand.u32 $0xFFFFFC00, s1;
	s0 =	sshll.u32 s0, $0x9  }
0x40: {  	s0 =	sor.u32 s0, s1  }
0x41: {  	p1 =	por $0x0, $0x0;
	s0 =	sshrl.u32 s0, $0x2  }
0x42: {  	s29 =	simm.s32 $0x0;
	s30 =	simm.s32 $0x0;
	s28 =	sadd.s32 s0, s25  }
.LBB1_4:
0x43: {  	s0 =	simm.s32 $0x1  }
0x44: {  	s1 =	sshll.u32 s29, $0x2;
	s0 =	simm.s32 @!p1 $0x0  }
0x45: {  	s1 =	sand.u32 $0xFFFFFC00, s1;
	s0 =	sshll.u32 s0, $0x9  }
0x46: {  	s0 =	sor.u32 s0, s1  }
0x47: {  	s0 =	sshrl.u32 s0, $0x2  }
0x48: {  	s0 =	sadd.s32 s0, s24  }
0x49: {  	v1 =	vmov s0;
	_ =	sdelay $0x3  }
0x4a: {  	s31 =	simm.s32 $0x0  }
0x4b: {  	v2 =	vld.idx.msk [tilespmem:v1+s31+$0x70 ss:$0x1], $0xffff  }
0x4c: {  	v3 =	vld.idx.msk [tilespmem:v1+s31+$0x870 ss:$0x1], $0xffff  }
0x4d: {  	v4 =	vld.idx.msk [tilespmem:v1+s31+$0x0 ss:$0x1], $0xffff  }
0x4e: {  	v5 =	vld.idx.msk [tilespmem:v1+s31+$0x800 ss:$0x1], $0xffff  }
0x4f: {  	v6 =	vld.idx.msk [tilespmem:v1+s31+$0x10 ss:$0x1], $0xffff  }
0x50: {  	v7 =	vld.idx.msk [tilespmem:v1+s31+$0x810 ss:$0x1], $0xffff;
	_ =	sdelay $0x1  }
0x51: {  	v0 =	vmov s28;
	v9 =	vld.idx.msk [tilespmem:v1+s31+$0x20 ss:$0x1], $0xffff;
	v8 =	vunpack.i.l.s16.s32 v2  }
0x52: {  	v12 =	vld.idx.msk [tilespmem:v1+s31+$0x820 ss:$0x1], $0xffff;
	v10 =	vunpack.i.l.s16.s32 v3;
	v2 =	vunpack.i.u.s16.s32 v2;
	v3 =	vunpack.i.u.s16.s32 v3  }
0x53: {  	v13 =	vld.idx.msk [tilespmem:v1+s31+$0x30 ss:$0x1], $0xffff;
	v11 =	vunpack.i.u.s16.s32 v4;
	v14 =	vunpack.i.u.s16.s32 v5;
	v5 =	vunpack.i.l.s16.s32 v5  }
0x54: {  	v15 =	vld.idx.msk [tilespmem:v1+s31+$0x830 ss:$0x1], $0xffff;
	v16 =	vunpack.i.u.s16.s32 v6;
	v17 =	vunpack.i.l.s16.s32 v6;
	v18 =	vunpack.i.u.s16.s32 v7  }
0x55: {  	v7 =	vunpack.i.l.s16.s32 v7;
	v6 =	vld.idx.msk [tilespmem:v1+s31+$0x850 ss:$0x1], $0xffff;
	v8 =	vpack.i.b32.b16 v10, v8;
	v10 =	vunpack.i.l.s16.s32 v4  }
0x56: {  	v3 =	vpack.i.b32.b16 v3, v2;
	v2 =	vld.idx.msk [tilespmem:v1+s31+$0x40 ss:$0x1], $0xffff;
	v7 =	vpack.i.b32.b16 v7, v17;
	[tilespmem:v0+s31+$0xFFFFF800 ss:$0x1] =	vst.idx.msk $0xffff, v8  }
0x57: {  	v4 =	vld.idx.msk [tilespmem:v1+s31+$0x840 ss:$0x1], $0xffff;
	v16 =	vpack.i.b32.b16 v18, v16;
	v5 =	vpack.i.b32.b16 v5, v10;
	[tilespmem:v0+s31+$0xFFFFF7A0 ss:$0x1] =	vst.idx.msk $0xffff, v7  }
0x58: {  	v8 =	vunpack.i.u.s16.s32 v9;
	v10 =	vunpack.i.l.s16.s32 v9;
	v9 =	vunpack.i.u.s16.s32 v13;
	[tilespmem:v0+s31+$0x0 ss:$0x1] =	vst.idx.msk $0xffff, v3;
	v3 =	vld.idx.msk [tilespmem:v1+s31+$0x50 ss:$0x1], $0xffff  }
0x59: {  	v13 =	vunpack.i.l.s16.s32 v13;
	v7 =	vld.idx.msk [tilespmem:v1+s31+$0x860 ss:$0x1], $0xffff;
	[tilespmem:v0+s31+$0xFFFFF790 ss:$0x1] =	vst.idx.msk $0xffff, v5;
	v5 =	vpack.i.b32.b16 v14, v11;
	v11 =	vunpack.i.u.s16.s32 v12  }
0x5a: {  	s1 =	simm.s32 $0x0;
	s0 =	simm.s32 $0x800;
	v14 =	vunpack.i.l.s16.s32 v12;
	v12 =	vunpack.i.u.s16.s32 v15;
	v15 =	vunpack.i.l.s16.s32 v15;
	[tilespmem:v0+s31+$0xFFFFFF90 ss:$0x1] =	vst.idx.msk $0xffff, v5;
	v5 =	vld.idx.msk [tilespmem:v1+s31+$0x60 ss:$0x1], $0xffff  }
.LBB1_5:
0x5b: {  	s8 =	sshra.s32 s0, $0x2;
	[tilespmem:v0+s31+$0xFFFFFFA0 ss:$0x1] =	vst.idx.msk $0xffff, v16;
	v10 =	vpack.i.b32.b16 v14, v10;
	v14 =	vunpack.i.u.s16.s32 v2;
	v2 =	vunpack.i.l.s16.s32 v2  }
0x5c: {  	v8 =	vpack.i.b32.b16 v11, v8;
	v16 =	vld.idx.msk [tilespmem:v1+s8+$0x70 ss:$0x1], $0xffff;
	[tilespmem:v0+s31+$0xFFFFF7B0 ss:$0x1] =	vst.idx.msk $0xffff, v10;
	v10 =	vunpack.i.u.s16.s32 v4;
	v4 =	vunpack.i.l.s16.s32 v4  }
0x5d: {  	s1 =	sadd.s32 $0x80, s1;
	v11 =	vld.idx.msk [tilespmem:v1+s8+$0x870 ss:$0x1], $0xffff;
	[tilespmem:v0+s31+$0xFFFFFFB0 ss:$0x1] =	vst.idx.msk $0xffff, v8;
	v8 =	vpack.i.b32.b16 v15, v13;
	v13 =	vunpack.i.u.s16.s32 v3;
	v3 =	vunpack.i.l.s16.s32 v3  }
0x5e: {  	p2 =	slt.u32 s1, $0x180;
	v15 =	vld.idx.msk [tilespmem:v1+s8+$0x0 ss:$0x1], $0xffff;
	[tilespmem:v0+s31+$0xFFFFF7C0 ss:$0x1] =	vst.idx.msk $0xffff, v8;
	v8 =	vpack.i.b32.b16 v12, v9;
	v9 =	vunpack.i.u.s16.s32 v6;
	v6 =	vunpack.i.l.s16.s32 v6  }
0x5f: {  	v2 =	vpack.i.b32.b16 v4, v2;
	v4 =	vunpack.i.u.s16.s32 v5;
	v5 =	vunpack.i.l.s16.s32 v5;
	v12 =	vld.idx.msk [tilespmem:v1+s8+$0x800 ss:$0x1], $0xffff;
	[tilespmem:v0+s31+$0xFFFFFFC0 ss:$0x1] =	vst.idx.msk $0xffff, v8  }
0x60: {  	v8 =	vld.idx.msk [tilespmem:v1+s8+$0x10 ss:$0x1], $0xffff;
	[tilespmem:v0+s31+$0xFFFFF7D0 ss:$0x1] =	vst.idx.msk $0xffff, v2;
	v2 =	vpack.i.b32.b16 v10, v14;
	v10 =	vunpack.i.u.s16.s32 v7;
	v7 =	vunpack.i.l.s16.s32 v7  }
0x61: {  	v3 =	vpack.i.b32.b16 v6, v3;
	v6 =	vpack.i.b32.b16 v9, v13;
	v14 =	vld.idx.msk [tilespmem:v1+s8+$0x810 ss:$0x1], $0xffff;
	v5 =	vpack.i.b32.b16 v7, v5  }
0x62: {  	v9 =	vpack.i.b32.b16 v10, v4;
	v7 =	vld.idx.msk [tilespmem:v1+s8+$0x20 ss:$0x1], $0xffff;
	[tilespmem:v0+s31+$0xFFFFFFD0 ss:$0x1] =	vst.idx.msk $0xffff, v2  }
0x63: {  	v2 =	vunpack.i.l.s16.s32 v16;
	v4 =	vunpack.i.l.s16.s32 v11;
	v13 =	vld.idx.msk [tilespmem:v1+s8+$0x820 ss:$0x1], $0xffff;
	[tilespmem:v0+s31+$0xFFFFF7E0 ss:$0x1] =	vst.idx.msk $0xffff, v3  }
0x64: {  	v10 =	vunpack.i.u.s16.s32 v11;
	v3 =	vunpack.i.u.s16.s32 v16;
	v2 =	vpack.i.b32.b16 v4, v2;
	v17 =	vld.idx.msk [tilespmem:v1+s8+$0x30 ss:$0x1], $0xffff;
	[tilespmem:v0+s31+$0xFFFFFFE0 ss:$0x1] =	vst.idx.msk $0xffff, v6  }
0x65: {  	v11 =	vunpack.i.l.s16.s32 v15;
	v6 =	vunpack.i.u.s16.s32 v15;
	v3 =	vpack.i.b32.b16 v10, v3;
	v15 =	vld.idx.msk [tilespmem:v1+s8+$0x830 ss:$0x1], $0xffff;
	[tilespmem:v0+s8+$0xFFFFF800 ss:$0x1] =	vst.idx.msk $0xffff, v2  }
0x66: {  	v16 =	vunpack.i.u.s16.s32 v12;
	v10 =	vunpack.i.l.s16.s32 v12;
	v12 =	vunpack.i.u.s16.s32 v8;
	v2 =	vld.idx.msk [tilespmem:v1+s8+$0x40 ss:$0x1], $0xffff;
	[tilespmem:v0+s8+$0x0 ss:$0x1] =	vst.idx.msk $0xffff, v3  }
.Ltmp3:
0x67: {  	v18 =	vunpack.i.l.s16.s32 v8;
	v19 =	vunpack.i.u.s16.s32 v14;
	v20 =	vunpack.i.l.s16.s32 v14;
	v4 =	vld.idx.msk [tilespmem:v1+s8+$0x840 ss:$0x1], $0xffff;
	[tilespmem:v0+s31+$0xFFFFF7F0 ss:$0x1] =	vst.idx.msk $0xffff, v5;
	(pc) =	sbr.rel @p2 .LBB1_5-.Ltmp3, $4  }
0x68: {  	v5 =	vpack.i.b32.b16 v10, v11;
	v8 =	vunpack.i.u.s16.s32 v7;
	v10 =	vunpack.i.l.s16.s32 v7;
	v3 =	vld.idx.msk [tilespmem:v1+s8+$0x50 ss:$0x1], $0xffff;
	[tilespmem:v0+s31+$0xFFFFFFF0 ss:$0x1] =	vst.idx.msk $0xffff, v9;
	s31 =	smov.u32 s8  }
0x69: {  	v11 =	vunpack.i.u.s16.s32 v13;
	v14 =	vunpack.i.l.s16.s32 v13;
	[tilespmem:v0+s31+$0xFFFFF790 ss:$0x1] =	vst.idx.msk $0xffff, v5;
	v5 =	vpack.i.b32.b16 v16, v6;
	v6 =	vld.idx.msk [tilespmem:v1+s31+$0x850 ss:$0x1], $0xffff  }
0x6a: {  	v7 =	vpack.i.b32.b16 v20, v18;
	v9 =	vunpack.i.u.s16.s32 v17;
	v13 =	vunpack.i.l.s16.s32 v17;
	[tilespmem:v0+s31+$0xFFFFFF90 ss:$0x1] =	vst.idx.msk $0xffff, v5;
	v5 =	vld.idx.msk [tilespmem:v1+s31+$0x60 ss:$0x1], $0xffff  }
0x6b: {  	s0 =	sadd.s32 $0x800, s0;
	v16 =	vpack.i.b32.b16 v19, v12;
	v12 =	vunpack.i.u.s16.s32 v15;
	v15 =	vunpack.i.l.s16.s32 v15;
	[tilespmem:v0+s31+$0xFFFFF7A0 ss:$0x1] =	vst.idx.msk $0xffff, v7;
	v7 =	vld.idx.msk [tilespmem:v1+s31+$0x860 ss:$0x1], $0xffff  }
0x6c: {  	_ =	sdelay $0x3  }
0x6d: {  	[tilespmem:v0+s31+$0xFFFFFFA0 ss:$0x1] =	vst.idx.msk $0xffff, v16;
	v1 =	vpack.i.b32.b16 v14, v10  }
0x6e: {  	v46 =	vpack.i.b32.b16 v15, v13;
	[tilespmem:v0+s31+$0xFFFFF7B0 ss:$0x1] =	vst.idx.msk $0xffff, v1  }
0x6f: {  	v45 =	vpack.i.b32.b16 v11, v8;
	[tilespmem:v0+s31+$0xFFFFF7C0 ss:$0x1] =	vst.idx.msk $0xffff, v46  }
0x70: {  	v47 =	vunpack.i.l.s16.s32 v2;
	v48 =	vunpack.i.l.s16.s32 v4;
	v49 =	vpack.i.b32.b16 v12, v9;
	[tilespmem:v0+s31+$0xFFFFFFB0 ss:$0x1] =	vst.idx.msk $0xffff, v45  }
0x71: {  	v50 =	vunpack.i.u.s16.s32 v2;
	v51 =	vunpack.i.u.s16.s32 v4;
	v52 =	vpack.i.b32.b16 v48, v47;
	[tilespmem:v0+s31+$0xFFFFFFC0 ss:$0x1] =	vst.idx.msk $0xffff, v49  }
0x72: {  	p2 =	slt.u32 s30, $0x6;
	v53 =	vunpack.i.l.s16.s32 v3;
	v55 =	vpack.i.b32.b16 v51, v50;
	v54 =	vunpack.i.l.s16.s32 v6;
	[tilespmem:v0+s31+$0xFFFFF7D0 ss:$0x1] =	vst.idx.msk $0xffff, v52  }
.Ltmp4:
0x73: {  	v56 =	vunpack.i.u.s16.s32 v3;
	v57 =	vunpack.i.u.s16.s32 v6;
	v58 =	vpack.i.b32.b16 v54, v53;
	[tilespmem:v0+s31+$0xFFFFFFD0 ss:$0x1] =	vst.idx.msk $0xffff, v55;
	(pc) =	sbr.rel @p2 .LBB1_4-.Ltmp4, $4  }
0x74: {  	v59 =	vunpack.i.l.s16.s32 v5;
	v2 =	vpack.i.b32.b16 v57, v56;
	v60 =	vunpack.i.l.s16.s32 v7;
	[tilespmem:v0+s31+$0xFFFFF7E0 ss:$0x1] =	vst.idx.msk $0xffff, v58  }
0x75: {  	v61 =	vunpack.i.u.s16.s32 v5;
	v62 =	vunpack.i.u.s16.s32 v7;
	v1 =	vpack.i.b32.b16 v60, v59;
	[tilespmem:v0+s31+$0xFFFFFFE0 ss:$0x1] =	vst.idx.msk $0xffff, v2  }
0x76: {  	s30 =	sadd.s32 $0x2, s30;
	v63 =	vpack.i.b32.b16 v62, v61;
	[tilespmem:v0+s31+$0xFFFFF7F0 ss:$0x1] =	vst.idx.msk $0xffff, v1  }
0x77: {  	s28 =	sadd.s32 $0x1000, s28;
	s29 =	sadd.s32 $0x80, s29;
	p1 =	por !p1, !p1;
	[tilespmem:v0+s31+$0xFFFFFFF0 ss:$0x1] =	vst.idx.msk $0xffff, v63  }
0x78: {  	p1 =	slt.u32 s27, $0x6  }
.Ltmp5:
0x79: {  	_ = 	snop;
	(pc) =	sbr.rel @p1 .LBB1_3-.Ltmp5, $3  }
0x7a: {  	_ =	sdelay $0x1  }
0x7b: {  	s0 =	sadd.s32 $0x2, s27;
	s26 =	sadd.s32 $0x100, s26  }
0x7c: {  	p0 =	por !p0, !p0;
	s24 =	sadd.s32 $0x1000, s24;
	s27 =	smov.u32 s0  }
0x7d: {  	s0 =	sshll.u32 s13, $0xA  }
0x7e: {  	s1 =	sshll.u32 s13, $0x7;
	s8 =	sshll.u32 s10, $0x1;
	s24 =	sshll.u32 s10, $0x3  }
0x7f: {  	s25 =	sshra.s32 s11, $0x1F;
	p0 =	sgt.s32 s12, $0x6;
	s27 =	sshra.s32 s12, $0x1F  }
0x80: {  	p2 =	sgt.s32 s10, $0x200;
	s0 =	sand.u32 $0x7E000, s0;
	s1 =	sand.u32 $0x300, s1  }
0x81: {  	s8 =	sand.u32 $0xF0, s8;
	s26 =	sor.u32 s25, s11;
	s0 =	sadd.s32 s0, s24  }
0x82: {  	s1 =	sor.u32 s1, s8;
	s8 =	sand.u32 s25, s11;
	s25 =	smov.u32 s12  }
0x83: {  	s24 =	sand.u32 s27, s12;
	s27 =	sshra.s32 s13, $0x1F;
	s8 =	ssub.s32 s26, s8  }
0x84: {  	s25 =	simm.s32 @!p0 $0x6;
	p0 =	sgt.s32 s13, $0x1F8;
	s26 =	smov.u32 s13  }
0x85: {  	s28 =	sand.u32 s27, s13;
	s24 =	ssub.s32 s25, s24;
	s26 =	simm.s32 @!p0 $0x1F8  }
0x86: {  	s29 =	sadd.s32 $0x1, s8;
	s8 =	ssub.s32 $0x7, s8;
	s25 =	ssub.s32 s26, s28  }
0x87: {  	s30 =	sadd.s32 $0xFFFFFFFA, s24;
	s24 =	ssub.s32 $0x7, s24;
	s26 =	smov.u32 s10  }
0x88: {  	s28 =	sshra.s32 s10, $0x1F;
	p0 =	sgt.s32 s30, $0x0;
	s31 =	sadd.s32 $0xFFFFFE08, s25  }
0x89: {  	s25 =	ssub.s32 $0x200, s25;
	s24 =	simm.s32 @p0 $0x0;
	p0 =	sgt.s32 s31, $0x7  }
0x8a: {  	s26 =	simm.s32 @!p2 $0x200;
	s27 =	sand.u32 s28, s10;
	s25 =	simm.s32 @p0 $0x0  }
0x8b: {  	p1 =	sgt.s32 s29, $0x7;
	s26 =	ssub.s32 s26, s27;
	s24 =	smul.u32 s25, s24  }
0x8c: {  	s8 =	simm.s32 @p1 $0x0;
	s29 =	sadd.s32 $0xFFFFFE00, s26  }
0x8d: {  	p0 =	sgt.s32 s29, $0x1FF;
	s25 =	ssub.s32 $0x400, s26;
	s8 =	smul.u32 s8, s24  }
0x8e: {  	s0 =	sshrl.u32 s0, $0x4;
	s30 =	smul.u32 $0x38000, s11;
	s25 =	simm.s32 @p0 $0x0  }
0x8f: {  	s1 =	sshrl.u32 s1, $0x4;
	s31 =	sshll.u32 s12, $0xF;
	s8 =	smul.u32 s25, s8  }
.Ltmp6:
0x90: {  	s0 =	sand.u32 $0x7FC0, s0;
	s27 =	sadd.s32 s6, s31;
	(pc) =	sbr.rel .LBB1_9-.Ltmp6, $4  }
0x91: {  	s28 =	sand.u32 $0x7, s10;
	s31 =	simm.s32 $0x1C0000;
	s24 =	sadd.s32 s30, s27  }
0x92: {  	s29 =	sshll.u32 s28, $0x12;
	s1 =	sadd.s32 s1, s24;
	s8 =	sshrl.u32 s8, $0x1  }
0x93: {  	s30 =	sor.u32 $0x800, s29;
	s0 =	sadd.s32 s0, s1;
	s8 =	sand.u32 $0x3FFFFFFF, s8  }
0x94: {  	[hbm4b:s0+s30] =	stream.strided.scatter [tilespmem:s23], [sflag:$0x2], s8, s31, s30, $0x38;
	[tilespmem:$0x10000] =	vst v63  }
.LBB1_10:
0x95: {  	_ =	sfence.sel $0x180000  }
0x96: {  	s0 =	simm.s32 $0x1;
	[bflag:$0x0] =	sbarrier.arrive $0xFFFF  }
0x97: {  	s30 =	simm.s32 $0x2;
	[sflag:s0] =	ssyncpa.u1 $0x1  }
0x98: {  	[sflag:s30] =	ssyncpa.u1 $0x1  }
0x99: {  	_ =	strace $0x9000004A  }
0x9a: {  	s31 =	stileid.u32;
	[bflag:$0x2] =	sbarrier.arrive $0xFFFF  }
0x9b: {  	p0 =	sne.s32 s31, $0x0;
	s0 =	rddreg [dreg:$0x1]  }
0x9c: {  	s0 =	sadd.s32 @!p0 $0x100000, s0  }
0x9d: {  	[sflag:s0] =	ssyncadd.tile.s32 @!p0 $0x1;
	_ =	shalt  }
.Lfunc_end1:
_tile_overlayer_lowered:
.L_overlay_start_2:
0x9e: {  	(tag) =	ssettag $0x2  }
0x9f: {  	s0 =	rddreg [dreg:$0x0];
	s2 =	stileid.u32  }
0xa0: {  	s1 =	rddreg [dreg:$0x1];
	p0 =	sne.s32 s2, $0x0  }
0xa1: {  	s3 =	rddreg [dreg:$0x2];
	[bflag:$0x3] =	sbarrier.arrive $0xFFFF;
	s2 =	simm.s32 @!p0 $0x1C01  }
0xa2: {  	[timem:s3], [sflag:s2] =	dma.local @!p0 [hbm:s0], s1  }
0xa3: {  	s0 =	simm.s32 @!p0 $0x1  }
0xa4: {  	_ =	swait.ge @!p0 [sflag:s0], s1  }
0xa5: {  	s1 =	ssub.s32 @!p0 $0x0, s1;
	[sflag:s0] =	ssyncset.done @!p0 $0x0  }
0xa6: {  	[sflag:s0] =	ssyncadd.s32 @!p0 s1  }
0xa7: {  	[bflag:$0x3] =	sbarrier.arrive $0xFFFF  }
0xa8: {  	_ =	shalt  }

</sc_bundles>
